<compile_context>
chip_gen: v7x
topology: tpu7x:2x2x1
jax: 0.10.2.dev20260603
libtpu: 0.0.44.dev20260713+nightly
codegen_flags: <defaults>
</compile_context>

<pallas_src>
import functools

import jax
import jax.numpy as jnp
from jax import lax
from jax.experimental import pallas as pl
from jax.experimental.pallas import tpu as pltpu
from jax.experimental.pallas import tpu_sc as plsc

_BT = 256


def _sc_gather(table, idx3):
    nw, nchunks, chunk = idx3.shape
    n = nw * nchunks * chunk
    d = table.shape[1]
    info = plsc.get_sparse_core_info()
    assert nw == info.num_cores * info.num_subcores
    mesh = plsc.VectorSubcoreMesh(core_axis_name="c", subcore_axis_name="s")

    @functools.partial(
        pl.kernel,
        mesh=mesh,
        out_type=jax.ShapeDtypeStruct((n, d), table.dtype),
        scratch_types=[
            pltpu.VMEM((nchunks, chunk), jnp.int32),
            pltpu.VMEM((chunk, d), table.dtype),
            pltpu.VMEM((chunk, d), table.dtype),
            pltpu.SemaphoreType.DMA,
            pltpu.SemaphoreType.DMA,
            pltpu.SemaphoreType.DMA,
            pltpu.SemaphoreType.DMA,
        ],
    )
    def k(table_hbm, idx_hbm, out_hbm, idx_v, buf0, buf1, g0, g1, o0, o1):
        wid = lax.axis_index("s") * info.num_cores + lax.axis_index("c")
        base = wid * (nchunks * chunk)
        bufs, gsems, osems = [buf0, buf1], [g0, g1], [o0, o1]
        pltpu.sync_copy(idx_hbm.at[wid], idx_v)
        g = [None, None]
        o = [None, None]
        g[0] = pltpu.async_copy(table_hbm.at[idx_v.at[0]], bufs[0], gsems[0])
        for c in range(nchunks):
            b = c % 2
            nb_ = (c + 1) % 2
            if c + 1 < nchunks:
                if o[nb_] is not None:
                    o[nb_].wait()
                g[nb_] = pltpu.async_copy(
                    table_hbm.at[idx_v.at[c + 1]], bufs[nb_], gsems[nb_])
            g[b].wait()
            o[b] = pltpu.async_copy(
                bufs[b], out_hbm.at[pl.ds(base + c * chunk, chunk)], osems[b])
        for c in range(max(0, nchunks - 2), nchunks):
            o[c % 2].wait()

    return k(table, idx3)


def _sc_dispatch(hidden, w16, inv3, tp):
    nw, nchunks, chunk = inv3.shape
    t, d = hidden.shape
    info = plsc.get_sparse_core_info()
    mesh = plsc.VectorSubcoreMesh(core_axis_name="c", subcore_axis_name="s")

    @functools.partial(
        pl.kernel,
        mesh=mesh,
        out_type=(jax.ShapeDtypeStruct((tp, d), hidden.dtype),
                  jax.ShapeDtypeStruct((tp, 128), jnp.float32)),
        scratch_types=[
            pltpu.VMEM((nchunks, chunk), jnp.int32),
            pltpu.VMEM((chunk, d), hidden.dtype),
            pltpu.VMEM((chunk, 128), jnp.float32),
            pltpu.SemaphoreType.DMA,
            pltpu.SemaphoreType.DMA,
            pltpu.SemaphoreType.DMA,
        ],
    )
    def k(hid_hbm, w_hbm, inv_hbm, xp_hbm, wp_hbm, idx_v, rows_v, w_v,
          s0, s1, s2):
        wid = lax.axis_index("s") * info.num_cores + lax.axis_index("c")
        base = wid * (nchunks * chunk)
        pltpu.sync_copy(inv_hbm.at[wid], idx_v)
        for c in range(nchunks):
            h0 = pltpu.async_copy(
                hid_hbm.at[pl.ds(base + c * chunk, chunk)], rows_v, s0)
            h1 = pltpu.async_copy(
                w_hbm.at[pl.ds(base + c * chunk, chunk)], w_v, s1)
            h0.wait()
            h2 = pltpu.async_copy(rows_v, xp_hbm.at[idx_v.at[c]], s2)
            h1.wait()
            h3 = pltpu.async_copy(w_v, wp_hbm.at[idx_v.at[c]], s1)
            h2.wait()
            h3.wait()

    return k(hidden, w16, inv3)


def _mlp_block_kernel(be_ref, x_ref, w_ref, wg_ref, wu_ref, wd_ref, o_ref):
    x = x_ref[...].astype(jnp.bfloat16)

    def dotT(a, b):
        return lax.dot_general(a, b, (((1,), (1,)), ((), ())),
                               preferred_element_type=jnp.float32)

    g = dotT(x, wg_ref[0].astype(jnp.bfloat16))
    u = dotT(x, wu_ref[0].astype(jnp.bfloat16))
    h = (g * lax.logistic(g) * u).astype(jnp.bfloat16)
    y = dotT(h, wd_ref[0].astype(jnp.bfloat16))
    o_ref[...] = y * w_ref[:, :1]


def _grouped_mlp(x_p, w_p, be, W_gate, W_up, W_down):
    tp, d = x_p.shape
    e, f, _ = W_gate.shape
    nblk = tp // _BT
    grid_spec = pltpu.PrefetchScalarGridSpec(
        num_scalar_prefetch=1,
        grid=(nblk,),
        in_specs=[
            pl.BlockSpec((_BT, d), lambda i, be: (i, 0)),
            pl.BlockSpec((_BT, 128), lambda i, be: (i, 0)),
            pl.BlockSpec((1, f, d), lambda i, be: (be[i], 0, 0)),
            pl.BlockSpec((1, f, d), lambda i, be: (be[i], 0, 0)),
            pl.BlockSpec((1, d, f), lambda i, be: (be[i], 0, 0)),
        ],
        out_specs=pl.BlockSpec((_BT, d), lambda i, be: (i, 0)),
    )
    return pl.pallas_call(
        _mlp_block_kernel,
        grid_spec=grid_spec,
        out_shape=jax.ShapeDtypeStruct((tp, d), jnp.float32),
        compiler_params=pltpu.CompilerParams(
            dimension_semantics=("arbitrary",)),
    )(be, x_p, w_p, W_gate, W_up, W_down)


def kernel(hidden_states, top_k_index, top_k_weights, W_gate, W_up, W_down):
    t, d = hidden_states.shape
    e = W_gate.shape[0]
    nblk = t // _BT + e
    tp = nblk * _BT

    eid = top_k_index[:, 0].astype(jnp.int32)
    onehot = (eid[:, None] == jnp.arange(e, dtype=jnp.int32)[None, :]
              ).astype(jnp.bfloat16)
    tri = (jnp.arange(t, dtype=jnp.int32)[:, None]
           >= jnp.arange(t, dtype=jnp.int32)[None, :]).astype(jnp.bfloat16)
    csum = jax.lax.dot(tri, onehot, preferred_element_type=jnp.float32)
    counts = csum[-1].astype(jnp.int32)
    rank = jnp.sum(onehot.astype(jnp.float32) * csum,
                   axis=1).astype(jnp.int32) - 1
    nb = (counts + _BT - 1) // _BT
    bstart = jnp.concatenate(
        [jnp.zeros((1,), jnp.int32), jnp.cumsum(nb).astype(jnp.int32)])
    be = jnp.sum(jnp.arange(nblk, dtype=jnp.int32)[:, None]
                 >= bstart[None, 1:], axis=1, dtype=jnp.int32)
    be = jnp.minimum(be, e - 1)
    inv_p = bstart[eid] * _BT + rank
    w16 = jnp.broadcast_to(
        top_k_weights[:, :1].astype(jnp.float32), (t, 128))

    info = plsc.get_sparse_core_info()
    nw = info.num_cores * info.num_subcores
    inv3 = inv_p.reshape(nw, -1, t // nw if t // nw <= 128 else 64)

    x_p, w_p = _sc_dispatch(hidden_states, w16, inv3, tp)
    out_p = _grouped_mlp(x_p, w_p, be, W_gate, W_up, W_down)
    out = _sc_gather(out_p, inv_p.reshape(nw, -1, 32))
    return out

# --- scband reference (transcript-rebuilt; emitter-appended) ---
"""Pipeline reference for scband-linearized-moe-experts-6751688589474 (READ-ONLY COPY).

The authoritative reference and input builder live on the scoring server;
editing this copy changes nothing except your own understanding.
"""

import jax, jax.numpy as jnp
import numpy as np

E = 64
D = 1024
F = 1024
T = 2048
K = 1


def setup_inputs(seed: int = 0) -> dict:
    key = jax.random.key(seed)
    k1, k2, k3, k4, k5, k6 = jax.random.split(key, 6)
    hidden_states = jax.random.normal(k1, (T, D), dtype=jnp.float32)
    top_k_index = jax.random.randint(k2, (T, K), 0, E)
    top_k_weights = jax.random.uniform(k3, (T, K), dtype=jnp.float32)
    W_gate = jax.random.normal(k4, (E, F, D), dtype=jnp.float32) * 0.02
    W_up = jax.random.normal(k5, (E, F, D), dtype=jnp.float32) * 0.02
    W_down = jax.random.normal(k6, (E, D, F), dtype=jnp.float32) * 0.02
    return {
        "hidden_states": hidden_states,
        "top_k_index": top_k_index,
        "top_k_weights": top_k_weights,
        "W_gate": W_gate,
        "W_up": W_up,
        "W_down": W_down,
    }


def reference(hidden_states, top_k_index, top_k_weights, W_gate, W_up, W_down):
    # Faithful translation of LinearizedMoeExperts.forward.
    # expert_mask = one_hot(top_k_index, E).permute(2,1,0)  -> expert_mask[e] has shape [K, T]
    num_experts = W_gate.shape[0]

    def body(e, final_hidden_states):
        # Tokens routed to expert e contribute with their routing weight;
        # all other tokens get weight 0 and contribute exactly 0.
        mask = top_k_index == e  # [T, K]
        weight = jnp.sum(jnp.where(mask, top_k_weights, 0.0), axis=1)  # [T]
        current_state = hidden_states
        gate = current_state @ W_gate[e].T
        up = current_state @ W_up[e].T
        current_hidden = jax.nn.silu(gate) * up
        current_hidden = current_hidden @ W_down[e].T
        current_hidden = current_hidden * weight[:, None]
        return final_hidden_states + current_hidden

    return jax.lax.fori_loop(
        0, num_experts, body, jnp.zeros_like(hidden_states)
    )

if __name__ == "__main__":
    import jax
    _d = setup_inputs()
    print(jax.jit(kernel)(*tuple(_d.values())))

</pallas_src>

<mosaic_0001>
#map = affine_map<(d0, d1) -> (0, 0)>
#map1 = affine_map<(d0, d1) -> (0, 0, 0)>
module attributes {stable_mosaic.version = 14 : i64} {
  func.func @k(%arg0: i32, %arg1: i32, %arg2: memref<2048x1024xf32, #tpu.memory_space<hbm>>, %arg3: memref<2048x128xf32, #tpu.memory_space<hbm>>, %arg4: memref<32x1x64xi32, #tpu.memory_space<hbm>>, %arg5: memref<18432x1024xf32, #tpu.memory_space<hbm>>, %arg6: memref<18432x128xf32, #tpu.memory_space<hbm>>, %arg7: memref<1x64xi32, #tpu.memory_space<vmem>>, %arg8: memref<64x1024xf32, #tpu.memory_space<vmem>>, %arg9: memref<64x128xf32, #tpu.memory_space<vmem>>, %arg10: memref<!tpu.dma_semaphore, #tpu.memory_space<semaphore_mem>>, %arg11: memref<!tpu.dma_semaphore, #tpu.memory_space<semaphore_mem>>, %arg12: memref<!tpu.dma_semaphore, #tpu.memory_space<semaphore_mem>>) attributes {dimension_semantics = [#tpu.dimension_semantics<core_parallel>, #tpu.dimension_semantics<subcore_parallel>], iteration_bounds = array<i64: 2, 16>, scalar_prefetch = 0 : i64, scratch_operands = 6 : i64, tpu.core_type = #tpu.core_type<sc_vector_subcore>, window_params = [{transform_indices = #map}, {transform_indices = #map}, {transform_indices = #map1}, {transform_indices = #map}, {transform_indices = #map}]} {
    %mul3A = arith.constant 2 : i32
    %mul3A_0 = arith.muli %arg1, %mul3A : i32
    %add3A = arith.addi %mul3A_0, %arg0 : i32
    %mul3A_1 = arith.constant 64 : i32
    %mul3A_2 = arith.muli %add3A, %mul3A_1 : i32
    "tpu.region"() ({
      %run_scoped3A = tpu.sem_alloc : memref<!tpu.dma_semaphore, #tpu.memory_space<semaphore_mem>>
      %dma_start3A_49 = arith.constant 0 : i32
      %dma_start3A_50 = arith.constant 0 : i32
      %dma_start3A_51 = tpu.memref_slice %arg4[%add3A, %dma_start3A_49, %dma_start3A_50] : memref<32x1x64xi32, #tpu.memory_space<hbm>> -> memref<1x1x64xi32, #tpu.memory_space<hbm>>
      %dma_start3A_52 = tpu.memref_squeeze %dma_start3A_51 : memref<1x1x64xi32, #tpu.memory_space<hbm>> -> memref<1x64xi32, #tpu.memory_space<hbm>>
      %dma_start3A_53 = arith.constant 0 : i32
      %dma_start3A_54 = arith.constant 0 : i32
      %dma_start3A_55 = tpu.memref_slice %arg4[%add3A, %dma_start3A_53, %dma_start3A_54] : memref<32x1x64xi32, #tpu.memory_space<hbm>> -> memref<1x1x64xi32, #tpu.memory_space<hbm>>
      %dma_start3A_56 = tpu.memref_squeeze %dma_start3A_55 : memref<1x1x64xi32, #tpu.memory_space<hbm>> -> memref<1x64xi32, #tpu.memory_space<hbm>>
      tpu.enqueue_dma source(%dma_start3A_56 : memref<1x64xi32, #tpu.memory_space<hbm>>) target(%arg7 : memref<1x64xi32, #tpu.memory_space<vmem>>) target_semaphore(%run_scoped3A : memref<!tpu.dma_semaphore, #tpu.memory_space<semaphore_mem>>)
      %dma_wait3A_57 = arith.constant 0 : i32
      %dma_wait3A_58 = arith.constant 0 : i32
      %dma_wait3A_59 = tpu.memref_slice %arg4[%add3A, %dma_wait3A_57, %dma_wait3A_58] : memref<32x1x64xi32, #tpu.memory_space<hbm>> -> memref<1x1x64xi32, #tpu.memory_space<hbm>>
      %dma_wait3A_60 = tpu.memref_squeeze %dma_wait3A_59 : memref<1x1x64xi32, #tpu.memory_space<hbm>> -> memref<1x64xi32, #tpu.memory_space<hbm>>
      %dma_wait3A_61 = arith.constant 0 : i32
      %dma_wait3A_62 = arith.constant 0 : i32
      %dma_wait3A_63 = tpu.memref_slice %arg4[%add3A, %dma_wait3A_61, %dma_wait3A_62] : memref<32x1x64xi32, #tpu.memory_space<hbm>> -> memref<1x1x64xi32, #tpu.memory_space<hbm>>
      %dma_wait3A_64 = tpu.memref_squeeze %dma_wait3A_63 : memref<1x1x64xi32, #tpu.memory_space<hbm>> -> memref<1x64xi32, #tpu.memory_space<hbm>>
      tpu.wait_dma2 semaphore(%run_scoped3A : memref<!tpu.dma_semaphore, #tpu.memory_space<semaphore_mem>>) src(%dma_wait3A_64 : memref<1x64xi32, #tpu.memory_space<hbm>>) dst(%arg7 : memref<1x64xi32, #tpu.memory_space<vmem>>)
      tpu.yield
    }) : () -> ()
    %add3A_3 = arith.constant 0 : i32
    %add3A_4 = arith.addi %mul3A_2, %add3A_3 : i32
    %dma_start3A = arith.constant 0 : i32
    %dma_start3A_5 = tpu.memref_slice %arg2[%add3A_4, %dma_start3A] : memref<2048x1024xf32, #tpu.memory_space<hbm>> -> memref<64x1024xf32, #tpu.memory_space<hbm>>
    %dma_start3A_6 = arith.constant 0 : i32
    %dma_start3A_7 = tpu.memref_slice %arg2[%add3A_4, %dma_start3A_6] : memref<2048x1024xf32, #tpu.memory_space<hbm>> -> memref<64x1024xf32, #tpu.memory_space<hbm>>
    tpu.enqueue_dma source(%dma_start3A_7 : memref<64x1024xf32, #tpu.memory_space<hbm>>) target(%arg8 : memref<64x1024xf32, #tpu.memory_space<vmem>>) target_semaphore(%arg10 : memref<!tpu.dma_semaphore, #tpu.memory_space<semaphore_mem>>)
    %add3A_8 = arith.constant 0 : i32
    %add3A_9 = arith.addi %mul3A_2, %add3A_8 : i32
    %dma_start3A_10 = arith.constant 0 : i32
    %dma_start3A_11 = tpu.memref_slice %arg3[%add3A_9, %dma_start3A_10] : memref<2048x128xf32, #tpu.memory_space<hbm>> -> memref<64x128xf32, #tpu.memory_space<hbm>>
    %dma_start3A_12 = arith.constant 0 : i32
    %dma_start3A_13 = tpu.memref_slice %arg3[%add3A_9, %dma_start3A_12] : memref<2048x128xf32, #tpu.memory_space<hbm>> -> memref<64x128xf32, #tpu.memory_space<hbm>>
    tpu.enqueue_dma source(%dma_start3A_13 : memref<64x128xf32, #tpu.memory_space<hbm>>) target(%arg9 : memref<64x128xf32, #tpu.memory_space<vmem>>) target_semaphore(%arg11 : memref<!tpu.dma_semaphore, #tpu.memory_space<semaphore_mem>>)
    %dma_wait3A = arith.constant 0 : i32
    %dma_wait3A_14 = tpu.memref_slice %arg2[%add3A_4, %dma_wait3A] : memref<2048x1024xf32, #tpu.memory_space<hbm>> -> memref<64x1024xf32, #tpu.memory_space<hbm>>
    %dma_wait3A_15 = arith.constant 0 : i32
    %dma_wait3A_16 = tpu.memref_slice %arg2[%add3A_4, %dma_wait3A_15] : memref<2048x1024xf32, #tpu.memory_space<hbm>> -> memref<64x1024xf32, #tpu.memory_space<hbm>>
    tpu.wait_dma2 semaphore(%arg10 : memref<!tpu.dma_semaphore, #tpu.memory_space<semaphore_mem>>) src(%dma_wait3A_16 : memref<64x1024xf32, #tpu.memory_space<hbm>>) dst(%arg8 : memref<64x1024xf32, #tpu.memory_space<vmem>>)
    %dma_start3A_17 = arith.constant 0 : i32
    %dma_start3A_18 = arith.constant 0 : i32
    %dma_start3A_19 = tpu.memref_slice %arg7[%dma_start3A_17, %dma_start3A_18] : memref<1x64xi32, #tpu.memory_space<vmem>> -> memref<1x64xi32, #tpu.memory_space<vmem>>
    %dma_start3A_20 = tpu.memref_squeeze %dma_start3A_19 : memref<1x64xi32, #tpu.memory_space<vmem>> -> memref<64xi32, #tpu.memory_space<vmem>>
    %dma_start3A_21 = arith.constant 0 : i32
    %dma_start3A_22 = arith.constant 0 : i32
    %dma_start3A_23 = tpu.memref_slice %arg5[%dma_start3A_21, %dma_start3A_22] : memref<18432x1024xf32, #tpu.memory_space<hbm>> -> memref<18432x1024xf32, #tpu.memory_space<hbm>>
    tpu.enqueue_indirect_dma source(%arg8 : memref<64x1024xf32, #tpu.memory_space<vmem>>) target(%dma_start3A_23 : memref<18432x1024xf32, #tpu.memory_space<hbm>>) offsets(%dma_start3A_20 : memref<64xi32, #tpu.memory_space<vmem>>) semaphore(%arg12 : memref<!tpu.dma_semaphore, #tpu.memory_space<semaphore_mem>>)
    %dma_wait3A_24 = arith.constant 0 : i32
    %dma_wait3A_25 = tpu.memref_slice %arg3[%add3A_9, %dma_wait3A_24] : memref<2048x128xf32, #tpu.memory_space<hbm>> -> memref<64x128xf32, #tpu.memory_space<hbm>>
    %dma_wait3A_26 = arith.constant 0 : i32
    %dma_wait3A_27 = tpu.memref_slice %arg3[%add3A_9, %dma_wait3A_26] : memref<2048x128xf32, #tpu.memory_space<hbm>> -> memref<64x128xf32, #tpu.memory_space<hbm>>
    tpu.wait_dma2 semaphore(%arg11 : memref<!tpu.dma_semaphore, #tpu.memory_space<semaphore_mem>>) src(%dma_wait3A_27 : memref<64x128xf32, #tpu.memory_space<hbm>>) dst(%arg9 : memref<64x128xf32, #tpu.memory_space<vmem>>)
    %dma_start3A_28 = arith.constant 0 : i32
    %dma_start3A_29 = arith.constant 0 : i32
    %dma_start3A_30 = tpu.memref_slice %arg7[%dma_start3A_28, %dma_start3A_29] : memref<1x64xi32, #tpu.memory_space<vmem>> -> memref<1x64xi32, #tpu.memory_space<vmem>>
    %dma_start3A_31 = tpu.memref_squeeze %dma_start3A_30 : memref<1x64xi32, #tpu.memory_space<vmem>> -> memref<64xi32, #tpu.memory_space<vmem>>
    %dma_start3A_32 = arith.constant 0 : i32
    %dma_start3A_33 = arith.constant 0 : i32
    %dma_start3A_34 = tpu.memref_slice %arg6[%dma_start3A_32, %dma_start3A_33] : memref<18432x128xf32, #tpu.memory_space<hbm>> -> memref<18432x128xf32, #tpu.memory_space<hbm>>
    tpu.enqueue_indirect_dma source(%arg9 : memref<64x128xf32, #tpu.memory_space<vmem>>) target(%dma_start3A_34 : memref<18432x128xf32, #tpu.memory_space<hbm>>) offsets(%dma_start3A_31 : memref<64xi32, #tpu.memory_space<vmem>>) semaphore(%arg11 : memref<!tpu.dma_semaphore, #tpu.memory_space<semaphore_mem>>)
    %dma_wait3A_35 = arith.constant 0 : i32
    %dma_wait3A_36 = arith.constant 0 : i32
    %dma_wait3A_37 = tpu.memref_slice %arg7[%dma_wait3A_35, %dma_wait3A_36] : memref<1x64xi32, #tpu.memory_space<vmem>> -> memref<1x64xi32, #tpu.memory_space<vmem>>
    %dma_wait3A_38 = tpu.memref_squeeze %dma_wait3A_37 : memref<1x64xi32, #tpu.memory_space<vmem>> -> memref<64xi32, #tpu.memory_space<vmem>>
    %dma_wait3A_39 = arith.constant 0 : i32
    %dma_wait3A_40 = arith.constant 0 : i32
    %dma_wait3A_41 = tpu.memref_slice %arg5[%dma_wait3A_39, %dma_wait3A_40] : memref<18432x1024xf32, #tpu.memory_space<hbm>> -> memref<18432x1024xf32, #tpu.memory_space<hbm>>
    tpu.wait_indirect_dma semaphore(%arg12 : memref<!tpu.dma_semaphore, #tpu.memory_space<semaphore_mem>>) src(%arg8 : memref<64x1024xf32, #tpu.memory_space<vmem>>) dst(%dma_wait3A_41 : memref<18432x1024xf32, #tpu.memory_space<hbm>>)
    %dma_wait3A_42 = arith.constant 0 : i32
    %dma_wait3A_43 = arith.constant 0 : i32
    %dma_wait3A_44 = tpu.memref_slice %arg7[%dma_wait3A_42, %dma_wait3A_43] : memref<1x64xi32, #tpu.memory_space<vmem>> -> memref<1x64xi32, #tpu.memory_space<vmem>>
    %dma_wait3A_45 = tpu.memref_squeeze %dma_wait3A_44 : memref<1x64xi32, #tpu.memory_space<vmem>> -> memref<64xi32, #tpu.memory_space<vmem>>
    %dma_wait3A_46 = arith.constant 0 : i32
    %dma_wait3A_47 = arith.constant 0 : i32
    %dma_wait3A_48 = tpu.memref_slice %arg6[%dma_wait3A_46, %dma_wait3A_47] : memref<18432x128xf32, #tpu.memory_space<hbm>> -> memref<18432x128xf32, #tpu.memory_space<hbm>>
    tpu.wait_indirect_dma semaphore(%arg11 : memref<!tpu.dma_semaphore, #tpu.memory_space<semaphore_mem>>) src(%arg9 : memref<64x128xf32, #tpu.memory_space<vmem>>) dst(%dma_wait3A_48 : memref<18432x128xf32, #tpu.memory_space<hbm>>)
    return
  }
}

#map = affine_map<(d0, d1) -> (0, 0)>
#map1 = affine_map<(d0, d1) -> (0, 0, 0)>
module attributes {stable_mosaic.version = 14 : i64} {
  func.func @k(%arg0: i32, %arg1: i32, %arg2: memref<18432x1024xf32, #tpu.memory_space<hbm>>, %arg3: memref<32x2x32xi32, #tpu.memory_space<hbm>>, %arg4: memref<2048x1024xf32, #tpu.memory_space<hbm>>, %arg5: memref<2x32xi32, #tpu.memory_space<vmem>>, %arg6: memref<32x1024xf32, #tpu.memory_space<vmem>>, %arg7: memref<32x1024xf32, #tpu.memory_space<vmem>>, %arg8: memref<!tpu.dma_semaphore, #tpu.memory_space<semaphore_mem>>, %arg9: memref<!tpu.dma_semaphore, #tpu.memory_space<semaphore_mem>>, %arg10: memref<!tpu.dma_semaphore, #tpu.memory_space<semaphore_mem>>, %arg11: memref<!tpu.dma_semaphore, #tpu.memory_space<semaphore_mem>>) attributes {dimension_semantics = [#tpu.dimension_semantics<core_parallel>, #tpu.dimension_semantics<subcore_parallel>], iteration_bounds = array<i64: 2, 16>, scalar_prefetch = 0 : i64, scratch_operands = 7 : i64, tpu.core_type = #tpu.core_type<sc_vector_subcore>, window_params = [{transform_indices = #map}, {transform_indices = #map1}, {transform_indices = #map}]} {
    %mul3A = arith.constant 2 : i32
    %mul3A_0 = arith.muli %arg1, %mul3A : i32
    %add3A = arith.addi %mul3A_0, %arg0 : i32
    %mul3A_1 = arith.constant 64 : i32
    %mul3A_2 = arith.muli %add3A, %mul3A_1 : i32
    "tpu.region"() ({
      %run_scoped3A = tpu.sem_alloc : memref<!tpu.dma_semaphore, #tpu.memory_space<semaphore_mem>>
      %dma_start3A_49 = arith.constant 0 : i32
      %dma_start3A_50 = arith.constant 0 : i32
      %dma_start3A_51 = tpu.memref_slice %arg3[%add3A, %dma_start3A_49, %dma_start3A_50] : memref<32x2x32xi32, #tpu.memory_space<hbm>> -> memref<1x2x32xi32, #tpu.memory_space<hbm>>
      %dma_start3A_52 = tpu.memref_squeeze %dma_start3A_51 : memref<1x2x32xi32, #tpu.memory_space<hbm>> -> memref<2x32xi32, #tpu.memory_space<hbm>>
      %dma_start3A_53 = arith.constant 0 : i32
      %dma_start3A_54 = arith.constant 0 : i32
      %dma_start3A_55 = tpu.memref_slice %arg3[%add3A, %dma_start3A_53, %dma_start3A_54] : memref<32x2x32xi32, #tpu.memory_space<hbm>> -> memref<1x2x32xi32, #tpu.memory_space<hbm>>
      %dma_start3A_56 = tpu.memref_squeeze %dma_start3A_55 : memref<1x2x32xi32, #tpu.memory_space<hbm>> -> memref<2x32xi32, #tpu.memory_space<hbm>>
      tpu.enqueue_dma source(%dma_start3A_56 : memref<2x32xi32, #tpu.memory_space<hbm>>) target(%arg5 : memref<2x32xi32, #tpu.memory_space<vmem>>) target_semaphore(%run_scoped3A : memref<!tpu.dma_semaphore, #tpu.memory_space<semaphore_mem>>)
      %dma_wait3A_57 = arith.constant 0 : i32
      %dma_wait3A_58 = arith.constant 0 : i32
      %dma_wait3A_59 = tpu.memref_slice %arg3[%add3A, %dma_wait3A_57, %dma_wait3A_58] : memref<32x2x32xi32, #tpu.memory_space<hbm>> -> memref<1x2x32xi32, #tpu.memory_space<hbm>>
      %dma_wait3A_60 = tpu.memref_squeeze %dma_wait3A_59 : memref<1x2x32xi32, #tpu.memory_space<hbm>> -> memref<2x32xi32, #tpu.memory_space<hbm>>
      %dma_wait3A_61 = arith.constant 0 : i32
      %dma_wait3A_62 = arith.constant 0 : i32
      %dma_wait3A_63 = tpu.memref_slice %arg3[%add3A, %dma_wait3A_61, %dma_wait3A_62] : memref<32x2x32xi32, #tpu.memory_space<hbm>> -> memref<1x2x32xi32, #tpu.memory_space<hbm>>
      %dma_wait3A_64 = tpu.memref_squeeze %dma_wait3A_63 : memref<1x2x32xi32, #tpu.memory_space<hbm>> -> memref<2x32xi32, #tpu.memory_space<hbm>>
      tpu.wait_dma2 semaphore(%run_scoped3A : memref<!tpu.dma_semaphore, #tpu.memory_space<semaphore_mem>>) src(%dma_wait3A_64 : memref<2x32xi32, #tpu.memory_space<hbm>>) dst(%arg5 : memref<2x32xi32, #tpu.memory_space<vmem>>)
      tpu.yield
    }) : () -> ()
    %dma_start3A = arith.constant 0 : i32
    %dma_start3A_3 = arith.constant 0 : i32
    %dma_start3A_4 = tpu.memref_slice %arg5[%dma_start3A, %dma_start3A_3] : memref<2x32xi32, #tpu.memory_space<vmem>> -> memref<1x32xi32, #tpu.memory_space<vmem>>
    %dma_start3A_5 = tpu.memref_squeeze %dma_start3A_4 : memref<1x32xi32, #tpu.memory_space<vmem>> -> memref<32xi32, #tpu.memory_space<vmem>>
    %dma_start3A_6 = arith.constant 0 : i32
    %dma_start3A_7 = arith.constant 0 : i32
    %dma_start3A_8 = tpu.memref_slice %arg2[%dma_start3A_6, %dma_start3A_7] : memref<18432x1024xf32, #tpu.memory_space<hbm>> -> memref<18432x1024xf32, #tpu.memory_space<hbm>>
    tpu.enqueue_indirect_dma source(%dma_start3A_8 : memref<18432x1024xf32, #tpu.memory_space<hbm>>) target(%arg6 : memref<32x1024xf32, #tpu.memory_space<vmem>>) offsets(%dma_start3A_5 : memref<32xi32, #tpu.memory_space<vmem>>) semaphore(%arg8 : memref<!tpu.dma_semaphore, #tpu.memory_space<semaphore_mem>>)
    %dma_start3A_9 = arith.constant 1 : i32
    %dma_start3A_10 = arith.constant 0 : i32
    %dma_start3A_11 = tpu.memref_slice %arg5[%dma_start3A_9, %dma_start3A_10] : memref<2x32xi32, #tpu.memory_space<vmem>> -> memref<1x32xi32, #tpu.memory_space<vmem>>
    %dma_start3A_12 = tpu.memref_squeeze %dma_start3A_11 : memref<1x32xi32, #tpu.memory_space<vmem>> -> memref<32xi32, #tpu.memory_space<vmem>>
    %dma_start3A_13 = arith.constant 0 : i32
    %dma_start3A_14 = arith.constant 0 : i32
    %dma_start3A_15 = tpu.memref_slice %arg2[%dma_start3A_13, %dma_start3A_14] : memref<18432x1024xf32, #tpu.memory_space<hbm>> -> memref<18432x1024xf32, #tpu.memory_space<hbm>>
    tpu.enqueue_indirect_dma source(%dma_start3A_15 : memref<18432x1024xf32, #tpu.memory_space<hbm>>) target(%arg7 : memref<32x1024xf32, #tpu.memory_space<vmem>>) offsets(%dma_start3A_12 : memref<32xi32, #tpu.memory_space<vmem>>) semaphore(%arg9 : memref<!tpu.dma_semaphore, #tpu.memory_space<semaphore_mem>>)
    %dma_wait3A = arith.constant 0 : i32
    %dma_wait3A_16 = arith.constant 0 : i32
    %dma_wait3A_17 = tpu.memref_slice %arg5[%dma_wait3A, %dma_wait3A_16] : memref<2x32xi32, #tpu.memory_space<vmem>> -> memref<1x32xi32, #tpu.memory_space<vmem>>
    %dma_wait3A_18 = tpu.memref_squeeze %dma_wait3A_17 : memref<1x32xi32, #tpu.memory_space<vmem>> -> memref<32xi32, #tpu.memory_space<vmem>>
    %dma_wait3A_19 = arith.constant 0 : i32
    %dma_wait3A_20 = arith.constant 0 : i32
    %dma_wait3A_21 = tpu.memref_slice %arg2[%dma_wait3A_19, %dma_wait3A_20] : memref<18432x1024xf32, #tpu.memory_space<hbm>> -> memref<18432x1024xf32, #tpu.memory_space<hbm>>
    tpu.wait_indirect_dma semaphore(%arg8 : memref<!tpu.dma_semaphore, #tpu.memory_space<semaphore_mem>>) src(%dma_wait3A_21 : memref<18432x1024xf32, #tpu.memory_space<hbm>>) dst(%arg6 : memref<32x1024xf32, #tpu.memory_space<vmem>>)
    %add3A_22 = arith.constant 0 : i32
    %add3A_23 = arith.addi %mul3A_2, %add3A_22 : i32
    %dma_start3A_24 = arith.constant 0 : i32
    %dma_start3A_25 = tpu.memref_slice %arg4[%add3A_23, %dma_start3A_24] : memref<2048x1024xf32, #tpu.memory_space<hbm>> -> memref<32x1024xf32, #tpu.memory_space<hbm>>
    %dma_start3A_26 = arith.constant 0 : i32
    %dma_start3A_27 = tpu.memref_slice %arg4[%add3A_23, %dma_start3A_26] : memref<2048x1024xf32, #tpu.memory_space<hbm>> -> memref<32x1024xf32, #tpu.memory_space<hbm>>
    tpu.enqueue_dma source(%arg6 : memref<32x1024xf32, #tpu.memory_space<vmem>>) target(%dma_start3A_27 : memref<32x1024xf32, #tpu.memory_space<hbm>>) target_semaphore(%arg10 : memref<!tpu.dma_semaphore, #tpu.memory_space<semaphore_mem>>)
    %dma_wait3A_28 = arith.constant 1 : i32
    %dma_wait3A_29 = arith.constant 0 : i32
    %dma_wait3A_30 = tpu.memref_slice %arg5[%dma_wait3A_28, %dma_wait3A_29] : memref<2x32xi32, #tpu.memory_space<vmem>> -> memref<1x32xi32, #tpu.memory_space<vmem>>
    %dma_wait3A_31 = tpu.memref_squeeze %dma_wait3A_30 : memref<1x32xi32, #tpu.memory_space<vmem>> -> memref<32xi32, #tpu.memory_space<vmem>>
    %dma_wait3A_32 = arith.constant 0 : i32
    %dma_wait3A_33 = arith.constant 0 : i32
    %dma_wait3A_34 = tpu.memref_slice %arg2[%dma_wait3A_32, %dma_wait3A_33] : memref<18432x1024xf32, #tpu.memory_space<hbm>> -> memref<18432x1024xf32, #tpu.memory_space<hbm>>
    tpu.wait_indirect_dma semaphore(%arg9 : memref<!tpu.dma_semaphore, #tpu.memory_space<semaphore_mem>>) src(%dma_wait3A_34 : memref<18432x1024xf32, #tpu.memory_space<hbm>>) dst(%arg7 : memref<32x1024xf32, #tpu.memory_space<vmem>>)
    %add3A_35 = arith.constant 32 : i32
    %add3A_36 = arith.addi %mul3A_2, %add3A_35 : i32
    %dma_start3A_37 = arith.constant 0 : i32
    %dma_start3A_38 = tpu.memref_slice %arg4[%add3A_36, %dma_start3A_37] : memref<2048x1024xf32, #tpu.memory_space<hbm>> -> memref<32x1024xf32, #tpu.memory_space<hbm>>
    %dma_start3A_39 = arith.constant 0 : i32
    %dma_start3A_40 = tpu.memref_slice %arg4[%add3A_36, %dma_start3A_39] : memref<2048x1024xf32, #tpu.memory_space<hbm>> -> memref<32x1024xf32, #tpu.memory_space<hbm>>
    tpu.enqueue_dma source(%arg7 : memref<32x1024xf32, #tpu.memory_space<vmem>>) target(%dma_start3A_40 : memref<32x1024xf32, #tpu.memory_space<hbm>>) target_semaphore(%arg11 : memref<!tpu.dma_semaphore, #tpu.memory_space<semaphore_mem>>)
    %dma_wait3A_41 = arith.constant 0 : i32
    %dma_wait3A_42 = tpu.memref_slice %arg4[%add3A_23, %dma_wait3A_41] : memref<2048x1024xf32, #tpu.memory_space<hbm>> -> memref<32x1024xf32, #tpu.memory_space<hbm>>
    %dma_wait3A_43 = arith.constant 0 : i32
    %dma_wait3A_44 = tpu.memref_slice %arg4[%add3A_23, %dma_wait3A_43] : memref<2048x1024xf32, #tpu.memory_space<hbm>> -> memref<32x1024xf32, #tpu.memory_space<hbm>>
    tpu.wait_dma2 semaphore(%arg10 : memref<!tpu.dma_semaphore, #tpu.memory_space<semaphore_mem>>) src(%arg6 : memref<32x1024xf32, #tpu.memory_space<vmem>>) dst(%dma_wait3A_44 : memref<32x1024xf32, #tpu.memory_space<hbm>>)
    %dma_wait3A_45 = arith.constant 0 : i32
    %dma_wait3A_46 = tpu.memref_slice %arg4[%add3A_36, %dma_wait3A_45] : memref<2048x1024xf32, #tpu.memory_space<hbm>> -> memref<32x1024xf32, #tpu.memory_space<hbm>>
    %dma_wait3A_47 = arith.constant 0 : i32
    %dma_wait3A_48 = tpu.memref_slice %arg4[%add3A_36, %dma_wait3A_47] : memref<2048x1024xf32, #tpu.memory_space<hbm>> -> memref<32x1024xf32, #tpu.memory_space<hbm>>
    tpu.wait_dma2 semaphore(%arg11 : memref<!tpu.dma_semaphore, #tpu.memory_space<semaphore_mem>>) src(%arg7 : memref<32x1024xf32, #tpu.memory_space<vmem>>) dst(%dma_wait3A_48 : memref<32x1024xf32, #tpu.memory_space<hbm>>)
    return
  }
}

module attributes {stable_mosaic.version = 14 : i64} {
  func.func @_mlp_block_kernel(%arg0: i32, %arg1: memref<72xi32, #tpu.memory_space<smem>>, %arg2: memref<256x1024xf32, #tpu.memory_space<vmem>>, %arg3: memref<256x128xf32, #tpu.memory_space<vmem>>, %arg4: memref<1x1024x1024xf32, #tpu.memory_space<vmem>>, %arg5: memref<1x1024x1024xf32, #tpu.memory_space<vmem>>, %arg6: memref<1x1024x1024xf32, #tpu.memory_space<vmem>>, %arg7: memref<256x1024xf32, #tpu.memory_space<vmem>>) attributes {dimension_semantics = [#tpu.dimension_semantics<arbitrary>], iteration_bounds = array<i64: 72>, scalar_prefetch = 1 : i64, scratch_operands = 0 : i64, tpu.core_type = #tpu.core_type<tc>, window_params = [{transform_indices = @transform_0, window_bounds = array<i64: 256, 1024>}, {transform_indices = @transform_1, window_bounds = array<i64: 256, 128>}, {transform_indices = @transform_2, window_bounds = array<i64: 1, 1024, 1024>}, {transform_indices = @transform_3, window_bounds = array<i64: 1, 1024, 1024>}, {transform_indices = @transform_4, window_bounds = array<i64: 1, 1024, 1024>}, {transform_indices = @transform_5, window_bounds = array<i64: 256, 1024>}]} {
    %get3A = arith.constant 0 : index
    %get3A_0 = arith.constant 0 : index
    %get3A_1 = vector.load %arg2[%get3A, %get3A_0] : memref<256x1024xf32, #tpu.memory_space<vmem>>, vector<256x1024xf32>
    %convert_element_type3A = arith.truncf %get3A_1 : vector<256x1024xf32> to vector<256x1024xbf16>
    %get3A_2 = arith.constant 0 : index
    %get3A_3 = arith.constant 0 : index
    %get3A_4 = arith.constant 0 : index
    %get3A_5 = vector.load %arg4[%get3A_2, %get3A_3, %get3A_4] : memref<1x1024x1024xf32, #tpu.memory_space<vmem>>, vector<1x1024x1024xf32>
    %get3A_6 = vector.shape_cast %get3A_5 : vector<1x1024x1024xf32> to vector<1024x1024xf32>
    %convert_element_type3A_7 = arith.truncf %get3A_6 : vector<1024x1024xf32> to vector<1024x1024xbf16>
    %dot_general3A = arith.constant dense<0.000000e+00> : vector<256x1024xf32>
    %dot_general3A_8 = tpu.matmul %convert_element_type3A, %convert_element_type3A_7, %dot_general3A {dimension_numbers = #tpu.dot_dimension_numbers<[1], [1], [0], [0], [0, 0, 1, 0], [], []>, transpose_lhs_hint = false} : vector<256x1024xbf16>, vector<1024x1024xbf16>, vector<256x1024xf32> -> vector<256x1024xf32>
    %get3A_9 = arith.constant 0 : index
    %get3A_10 = arith.constant 0 : index
    %get3A_11 = arith.constant 0 : index
    %get3A_12 = vector.load %arg5[%get3A_9, %get3A_10, %get3A_11] : memref<1x1024x1024xf32, #tpu.memory_space<vmem>>, vector<1x1024x1024xf32>
    %get3A_13 = vector.shape_cast %get3A_12 : vector<1x1024x1024xf32> to vector<1024x1024xf32>
    %convert_element_type3A_14 = arith.truncf %get3A_13 : vector<1024x1024xf32> to vector<1024x1024xbf16>
    %dot_general3A_15 = arith.constant dense<0.000000e+00> : vector<256x1024xf32>
    %dot_general3A_16 = tpu.matmul %convert_element_type3A, %convert_element_type3A_14, %dot_general3A_15 {dimension_numbers = #tpu.dot_dimension_numbers<[1], [1], [0], [0], [0, 0, 1, 0], [], []>, transpose_lhs_hint = false} : vector<256x1024xbf16>, vector<1024x1024xbf16>, vector<256x1024xf32> -> vector<256x1024xf32>
    %logistic3A = arith.negf %dot_general3A_8 : vector<256x1024xf32>
    %logistic3A_17 = math.exp %logistic3A : vector<256x1024xf32>
    %logistic3A_18 = arith.constant 1.000000e+00 : f32
    %logistic3A_19 = vector.broadcast %logistic3A_18 : f32 to vector<256x1024xf32>
    %logistic3A_20 = arith.addf %logistic3A_19, %logistic3A_17 : vector<256x1024xf32>
    %logistic3A_21 = arith.divf %logistic3A_19, %logistic3A_20 : vector<256x1024xf32>
    %mul3A = arith.mulf %dot_general3A_8, %logistic3A_21 : vector<256x1024xf32>
    %mul3A_22 = arith.mulf %mul3A, %dot_general3A_16 : vector<256x1024xf32>
    %convert_element_type3A_23 = arith.truncf %mul3A_22 : vector<256x1024xf32> to vector<256x1024xbf16>
    %get3A_24 = arith.constant 0 : index
    %get3A_25 = arith.constant 0 : index
    %get3A_26 = arith.constant 0 : index
    %get3A_27 = vector.load %arg6[%get3A_24, %get3A_25, %get3A_26] : memref<1x1024x1024xf32, #tpu.memory_space<vmem>>, vector<1x1024x1024xf32>
    %get3A_28 = vector.shape_cast %get3A_27 : vector<1x1024x1024xf32> to vector<1024x1024xf32>
    %convert_element_type3A_29 = arith.truncf %get3A_28 : vector<1024x1024xf32> to vector<1024x1024xbf16>
    %dot_general3A_30 = arith.constant dense<0.000000e+00> : vector<256x1024xf32>
    %dot_general3A_31 = tpu.matmul %convert_element_type3A_23, %convert_element_type3A_29, %dot_general3A_30 {dimension_numbers = #tpu.dot_dimension_numbers<[1], [1], [0], [0], [0, 0, 1, 0], [], []>, transpose_lhs_hint = false} : vector<256x1024xbf16>, vector<1024x1024xbf16>, vector<256x1024xf32> -> vector<256x1024xf32>
    %get3A_32 = arith.constant 0 : index
    %get3A_33 = arith.constant 0 : index
    %get3A_34 = vector.load %arg3[%get3A_32, %get3A_33] : memref<256x128xf32, #tpu.memory_space<vmem>>, vector<256x1xf32>
    %mul3A_35 = vector.broadcast %get3A_34 : vector<256x1xf32> to vector<256x1024xf32>
    %mul3A_36 = arith.mulf %dot_general3A_31, %mul3A_35 : vector<256x1024xf32>
    %swap3A = arith.constant 0 : index
    %swap3A_37 = arith.constant 0 : index
    %swap3A_38 = vector.load %arg7[%swap3A, %swap3A_37] : memref<256x1024xf32, #tpu.memory_space<vmem>>, vector<256x1024xf32>
    tpu.vector_store %arg7[%swap3A, %swap3A_37], %mul3A_36 {strides = array<i32>} : memref<256x1024xf32, #tpu.memory_space<vmem>>, vector<256x1024xf32>,
    return
  }
  func.func @transform_0(%arg0: i32, %arg1: memref<72xi32, #tpu.memory_space<smem>>) -> (i32, i32) {
    %c0_i32 = arith.constant 0 : i32
    %c0_i32_0 = arith.constant 0 : i32
    return %arg0, %c0_i32 : i32, i32
  }
  func.func @transform_1(%arg0: i32, %arg1: memref<72xi32, #tpu.memory_space<smem>>) -> (i32, i32) {
    %c0_i32 = arith.constant 0 : i32
    %c0_i32_0 = arith.constant 0 : i32
    return %arg0, %c0_i32 : i32, i32
  }
  func.func @transform_2(%arg0: i32, %arg1: memref<72xi32, #tpu.memory_space<smem>>) -> (i32, i32, i32) {
    %get3A = arith.index_cast %arg0 : i32 to index
    %get3A_0 = memref.load %arg1[%get3A] : memref<72xi32, #tpu.memory_space<smem>>
    %c0_i32 = arith.constant 0 : i32
    %c0_i32_1 = arith.constant 0 : i32
    %c0_i32_2 = arith.constant 0 : i32
    return %get3A_0, %c0_i32, %c0_i32_1 : i32, i32, i32
  }
  func.func @transform_3(%arg0: i32, %arg1: memref<72xi32, #tpu.memory_space<smem>>) -> (i32, i32, i32) {
    %get3A = arith.index_cast %arg0 : i32 to index
    %get3A_0 = memref.load %arg1[%get3A] : memref<72xi32, #tpu.memory_space<smem>>
    %c0_i32 = arith.constant 0 : i32
    %c0_i32_1 = arith.constant 0 : i32
    %c0_i32_2 = arith.constant 0 : i32
    return %get3A_0, %c0_i32, %c0_i32_1 : i32, i32, i32
  }
  func.func @transform_4(%arg0: i32, %arg1: memref<72xi32, #tpu.memory_space<smem>>) -> (i32, i32, i32) {
    %get3A = arith.index_cast %arg0 : i32 to index
    %get3A_0 = memref.load %arg1[%get3A] : memref<72xi32, #tpu.memory_space<smem>>
    %c0_i32 = arith.constant 0 : i32
    %c0_i32_1 = arith.constant 0 : i32
    %c0_i32_2 = arith.constant 0 : i32
    return %get3A_0, %c0_i32, %c0_i32_1 : i32, i32, i32
  }
  func.func @transform_5(%arg0: i32, %arg1: memref<72xi32, #tpu.memory_space<smem>>) -> (i32, i32) {
    %c0_i32 = arith.constant 0 : i32
    %c0_i32_0 = arith.constant 0 : i32
    return %arg0, %c0_i32 : i32, i32
  }
}

</mosaic_0001>

<sc_bundles>
// kernel: kernel.5.cloned.1.call-start
scs
__scs_entry_jumppad:
0x0: {  	(pc) =	sbr.rel $0x88, $3  }
0x1: {  	(tag) =	ssettag $0x0;
	lr =	simm.s32 $0x1  }
0x2: {  	[smem:$0x3F9B] =	sst lr;
	_ =	strace $0xD0000000  }
0x3: {  	_ = 	snop  }
0x4: {  	_ = 	snop  }
0x5: {  	_ = 	snop  }
0x6: {  	_ = 	snop  }
0x7: {  	_ = 	snop  }
__scs_overlays_trampoline_lowered:
0x8: {  	[smem:$0x3FAA] =	sst s0  }
0x9: {  	[smem:$0x3FAB] =	sst s1  }
0xa: {  	[smem:$0x3FAC] =	sst s2  }
0xb: {  	[smem:$0x3FAD] =	sst s3  }
0xc: {  	[smem:$0x3FAE] =	sst s4  }
0xd: {  	[smem:$0x3FAF] =	sst s5  }
0xe: {  	[smem:$0x3FB0] =	sst s6  }
0xf: {  	[smem:$0x3FB1] =	sst s7  }
0x10: {  	[smem:$0x3FB2] =	sst s8  }
0x11: {  	[smem:$0x3FB3] =	sst s9;
	s0 =	simm.s32 @!p0 $0x0  }
0x12: {  	s1 =	sld [smem:$0x3F99];
	s0 =	simm.s32 @p0 $0x1  }
0x13: {  	[smem:$0x3FB4] =	sst s0;
	s0 =	simm.s32 @!p1 $0x0  }
0x14: {  	s2 =	sld [smem:$0x3F98];
	s0 =	simm.s32 @p1 $0x1  }
0x15: {  	[smem:$0x3FB5] =	sst s0;
	s0 =	simm.s32 @!p2 $0x0  }
0x16: {  	s3 =	sld [smem:$0x3FDB];
	s0 =	simm.s32 @p2 $0x1  }
0x17: {  	s4 =	simm.s32 $0x1BF5;
	[smem:$0x3FB7] =	sst s0  }
0x18: {  	s0 =	sld [smem:$0x3F9A];
	_ =	swait.ge [sflag:s4], $0x0  }
0x19: {  	s7 =	sld [smem:$0x3F9B]  }
0x1a: {  	s8 =	sadd.s32 $0xFFFFE003, lr  }
0x1b: {  	s9 =	sadd.s32 $0xFFFFFEF7, lr;
	s5 =	simm.s32 $0xFFFFFFFF;
	p2 =	slt.u32 s8, $0xFFFFF086  }
0x1c: {  	p1 =	slt.u32 s9, $0xF7A;
	s5 =	simm.s32 @!p2 $0x0  }
0x1d: {  	s5 =	simm.s32 @p1 $0x1;
	p0 =	seq.s32 s7, s2  }
0x1e: {  	s7 =	smul.u32 @!p0 $0xF7A, s2;
	p2 =	seq.s32 @!p0 s5, $0x0  }
0x1f: {  	s9 =	smul.u32 $0xF7A, s1;
	s8 =	simm.s32 @!p0 $0x1BF5;
	p2 =	por !p2, p0  }
0x20: {  	[sflag:s8] =	ssyncset.s32 @!p0 $0xFFFFF086;
	s6 =	sadd.s32 @!p0 s3, s7;
	s7 =	simm.s32 @!p0 $0x108  }
0x21: {  	s3 =	sadd.s32 s3, s9;
	s6 =	sadd.s32 @!p0 $0x88, s6;
	s7 =	simm.s32 @p2 $0x1082  }
0x22: {  	[simem:s7], [sflag:s8] =	dma.local @!p0 [hbm:s6], $0xF7A  }
0x23: {  	s9 =	sor.u32 $0xD0000000, s2;
	s6 =	simm.s32 $0x108;
	_ =	swait.ge @!p0 [sflag:s8], $0x0  }
0x24: {  	s3 =	sadd.s32 $0x88, s3;
	s6 =	simm.s32 @!p1 $0x1082;
	[sflag:s4] =	ssyncset.s32 $0xFFFFF086  }
0x25: {  	[simem:s6], [sflag:s4] =	dma.local [hbm:s3], $0xF7A  }
0x26: {  	[smem:$0x3F9B] =	sst s1;
	(tag) =	ssettag s2;
	_ =	strace s9  }
0x27: {  	s1 =	sld [smem:$0x3FAB]  }
0x28: {  	s2 =	sld [smem:$0x3FAC]  }
0x29: {  	s4 =	sld [smem:$0x3FAE]  }
0x2a: {  	p0 =	seq.s32 s5, $0x0;
	s5 =	sld [smem:$0x3FAF]  }
0x2b: {  	s6 =	sld [smem:$0x3FB0]  }
0x2c: {  	s7 =	sld [smem:$0x3FB1]  }
0x2d: {  	s3 =	simm.s32 $0x108;
	s8 =	sld [smem:$0x3FB2]  }
0x2e: {  	s3 =	simm.s32 @!p0 $0x1082;
	s9 =	sld [smem:$0x3FB3]  }
0x2f: {  	lr =	sadd.s32 s0, s3;
	s0 =	sld [smem:$0x3FAA]  }
0x30: {  	s3 =	sld [smem:$0x3FAD]  }
0x31: {  	[smem:$0x3FB6] =	sst s10  }
0x32: {  	s10 =	sld [smem:$0x3FB4];
	_ =	sdelay $0x3  }
0x33: {  	p0 =	seq.s32 s10, $0x1;
	s10 =	sld [smem:$0x3FB6];
	_ =	sdelay $0x3  }
0x34: {  	[smem:$0x3FB6] =	sst s10  }
0x35: {  	s10 =	sld [smem:$0x3FB5];
	_ =	sdelay $0x3  }
0x36: {  	p1 =	seq.s32 s10, $0x1;
	s10 =	sld [smem:$0x3FB6];
	_ =	sdelay $0x3  }
0x37: {  	[smem:$0x3FB6] =	sst s10  }
0x38: {  	s10 =	sld [smem:$0x3FB7]  }
0x39: {  	_ = 	snop;
	(pc) =	sbr.ind lr, $3  }
0x3a: {  	_ = 	snop  }
0x3b: {  	_ = 	snop  }
0x3c: {  	p2 =	seq.s32 s10, $0x1;
	s10 =	sld [smem:$0x3FB6]  }
0x3d: {  	_ =	shalt  }
0x3e: {  	_ =	shalt  }
0x3f: {  	_ =	shalt  }
0x40: {  	_ =	shalt  }
0x41: {  	_ =	shalt  }
0x42: {  	_ =	shalt  }
0x43: {  	_ =	shalt  }
0x44: {  	_ =	shalt  }
0x45: {  	_ =	shalt  }
0x46: {  	_ =	shalt  }
0x47: {  	_ =	shalt  }
0x48: {  	_ =	shalt  }
0x49: {  	_ =	shalt  }
0x4a: {  	_ =	shalt  }
0x4b: {  	_ =	shalt  }
0x4c: {  	_ =	shalt  }
0x4d: {  	_ =	shalt  }
0x4e: {  	_ =	shalt  }
0x4f: {  	_ =	shalt  }
0x50: {  	_ =	shalt  }
0x51: {  	_ =	shalt  }
0x52: {  	_ =	shalt  }
0x53: {  	_ =	shalt  }
0x54: {  	_ =	shalt  }
0x55: {  	_ =	shalt  }
0x56: {  	_ =	shalt  }
0x57: {  	_ =	shalt  }
0x58: {  	_ =	shalt  }
0x59: {  	_ =	shalt  }
0x5a: {  	_ =	shalt  }
0x5b: {  	_ =	shalt  }
0x5c: {  	_ =	shalt  }
0x5d: {  	_ =	shalt  }
0x5e: {  	_ =	shalt  }
0x5f: {  	_ =	shalt  }
0x60: {  	_ =	shalt  }
0x61: {  	_ =	shalt  }
0x62: {  	_ =	shalt  }
0x63: {  	_ =	shalt  }
0x64: {  	_ =	shalt  }
0x65: {  	_ =	shalt  }
0x66: {  	_ =	shalt  }
0x67: {  	_ =	shalt  }
0x68: {  	_ =	shalt  }
0x69: {  	_ =	shalt  }
0x6a: {  	_ =	shalt  }
0x6b: {  	_ =	shalt  }
0x6c: {  	_ =	shalt  }
0x6d: {  	_ =	shalt  }
0x6e: {  	_ =	shalt  }
0x6f: {  	_ =	shalt  }
0x70: {  	_ =	shalt  }
0x71: {  	_ =	shalt  }
0x72: {  	_ =	shalt  }
0x73: {  	_ =	shalt  }
0x74: {  	_ =	shalt  }
0x75: {  	_ =	shalt  }
0x76: {  	_ =	shalt  }
0x77: {  	_ =	shalt  }
0x78: {  	_ =	shalt  }
0x79: {  	_ =	shalt  }
0x7a: {  	_ =	shalt  }
0x7b: {  	_ =	shalt  }
0x7c: {  	_ =	shalt  }
0x7d: {  	_ =	shalt  }
0x7e: {  	_ =	shalt  }
0x7f: {  	_ =	shalt  }
0x80: {  	_ =	shalt  }
0x81: {  	_ =	shalt  }
0x82: {  	_ =	shalt  }
0x83: {  	_ =	shalt  }
0x84: {  	_ =	shalt  }
0x85: {  	_ =	shalt  }
0x86: {  	_ =	shalt  }
0x87: {  	_ =	shalt  }
.Lfunc_end0:
.L_simem_size_0:
called_computation_lowered:
.L_overlay_start_0:
0x88: {  	s2 =	sld [smem:$0x3FD9]  }
0x89: {  	s3 =	sld [smem:$0x3FFE];
	_ =	sdelay $0x1  }
0x8a: {  	s1 =	srdreg.scid  }
0x8b: {  	s0 =	sand.u32 $0x1, s1  }
0x8c: {  	s17 =	sshll.u32 s0, $0xA;
	s2 =	sadd.s32 s3, s2  }
0x8d: {  	s2 =	sadd.s32 s2, s17  }
0x8e: {  	[smem:$0x3FC2] =	sst s2  }
0x8f: {  	_ = 	snop  }
0x90: {  	s2 =	sld [smem:$0x3FC9]  }
0x91: {  	s18 =	sld [smem:$0x3FD0];
	(tm) =	ssettm $0x1  }
0x92: {  	s4 =	sld [smem:$0x3FFB];
	_ =	sdelay $0x3  }
0x93: {  	_ =	strace s4  }
0x94: {  	s4 =	sld [smem:$0x3FFC];
	_ =	sdelay $0x3  }
0x95: {  	_ =	strace s4  }
0x96: {  	s4 =	sld [smem:$0x3FFD];
	_ =	sdelay $0x3  }
0x97: {  	_ =	strace s4  }
0x98: {  	_ =	strace $0x8FFFFFFF  }
0x99: {  	s19 =	sld [smem:$0x3FDB];
	_ =	sdelay $0x1  }
0x9a: {  	s5 =	simm.s32 $_scs_section_size  }
0x9b: {  	s6 =	simm.s32 $_size__tile_overlayer_lowered;
	s7 =	simm.s32 $_tile_overlayer_lowered  }
0x9c: {  	s22 =	simm.s32 $0x1BFF;
	s21 =	sshll.u32 s7, $0x1;
	s4 =	sadd.s32 s5, s19  }
0x9d: {  	s8 =	simm.s32 $0x0;
	s20 =	sshll.u32 s6, $0x1;
	s6 =	sadd.s32 s21, s4  }
0x9e: {  	[timem:s8], [sflag:s22] =	dma.local [hbm:s6], s20  }
0x9f: {  	_ =	swait.ge [sflag:s22], s20  }
0xa0: {  	s5 =	ssub.s32 $0x0, s20;
	[sflag:s22] =	ssyncset.done $0x0  }
0xa1: {  	[sflag:s22] =	ssyncadd.s32 s5;
	_ =	sdelay $0x1  }
0xa2: {  	s23 =	simm.s32 $0x1B8B  }
0xa3: {  	_ =	swait.ge [sflag:s23], $0x1  }
0xa4: {  	[sflag:s23] =	ssyncset.done $0x0  }
0xa5: {  	s25 =	simm.s32 $0x1B8E;
	s24 =	sld [smem:$0x3FFE];
	[sflag:s23] =	ssyncadd.s32 $0xFFFFFFFF  }
0xa6: {  	s26 =	simm.s32 $execute0_lowered;
	[smem:$0x3FD2] =	sst s25  }
0xa7: {  	s6 =	sshll.u32 s26, $0x1;
	_ =	strace $0x80000046;
	[dreg:$0x1] =	wrdreg $0xFFFFFFFF  }
0xa8: {  	s28 =	simm.s32 $_size_execute0_lowered;
	s4 =	sadd.s32 s4, s6;
	[dreg:$0x0] =	wrdreg $0x0  }
0xa9: {  	s6 =	sshll.u32 s28, $0x1;
	[dreg:$0x2] =	wrdreg s4  }
0xaa: {  	[dreg:$0x3] =	wrdreg s6  }
0xab: {  	[dreg:$0x4] =	wrdreg $0xC0  }
0xac: {  	_ =	task [dreg:s8], $0x5FFFF  }
0xad: {  	[dreg:$0x1] =	wrdreg $0xFFFFFFFF  }
0xae: {  	[dreg:$0x0] =	wrdreg $0x60  }
0xaf: {  	[dreg:$0x2] =	wrdreg s2  }
0xb0: {  	[dreg:$0x3] =	wrdreg s18  }
0xb1: {  	[dreg:$0x4] =	wrdreg s24  }
0xb2: {  	[dreg:$0x5] =	wrdreg $0x9  }
0xb3: {  	_ =	task.clear_ibuf [dreg:s8], $0x6FFFF;
	_ =	strace $0x90000046  }
0xb4: {  	s29 =	simm.s32 $0x9;
	_ =	strace $0x80000048  }
0xb5: {  	_ =	swait.ge [sflag:s29], $0x1  }
0xb6: {  	[sflag:s29] =	ssyncadd.s32 $0xFFFFFFFF  }
0xb7: {  	_ =	strace $0x90000048  }
0xb8: {  	_ =	sfence  }
0xb9: {  	s30 =	sld [smem:$0x0];
	_ =	sdelay $0x2  }
0xba: {  	s31 =	sshll.u32 s1, $0xD;
	s1 =	sshrl.u32 s1, $0x2  }
0xbb: {  	s3 =	sand.u32 $0x4000, s31;
	s1 =	sadd.s32 s1, s30  }
0xbc: {  	s0 =	sor.u32 s3, s0;
	s1 =	sshll.u32 s1, $0x11  }
0xbd: {  	s0 =	sor.u32 s1, s0  }
0xbe: {  	s0 =	sadd.s32 $0x8F2B, s0  }
0xbf: {  	[sflag:s0] =	ssyncadd.remote.s32 $0x1  }
0xc0: {  	_ =	sfence.sel $0xFFFF  }
0xc1: {  	[dreg:$0x0] =	wrdreg $0xFFFFFFFF;
	(pc) =	sbr.abs _section_cstart, $3  }
0xc2: {  	[dreg:$0x1] =	wrdreg $0xFFFFFFFF  }
0xc3: {  	_ =	task.clear_ibuf [dreg:s8], $0x2FFFF;
	_ =	strace $0x9FFFFFFF  }
0xc4: {  	(tm) =	ssettm $0x7FFFFFFF  }
0xc5: {  	_ =	shalt  }
tec
execute0_lowered:
.L_overlay_start_1:
0x0: {  	(tag) =	ssettag $0x1  }
0x1: {  	s0 =	rddreg [dreg:$0x0]  }
0x2: {  	s3 =	rddreg [dreg:$0x1]  }
0x3: {  	s6 =	rddreg [dreg:$0x2];
	s2 =	simm.s32 $0x0  }
0x4: {  	[smem:$0x7FF] =	sst s2;
	s7 =	sadd.s32 $0x200, s6  }
0x5: {  	s11 =	simm.s32 $0x880;
	_ =	strace $0x80000047;
	[dreg:$0x4] =	wrdreg s7  }
0x6: {  	s12 =	simm.s32 $0x1080;
	[dreg:$0x8] =	wrdreg s11  }
0x7: {  	s13 =	simm.s32 $0x1880;
	[dreg:$0x9] =	wrdreg s12  }
0x8: {  	s14 =	simm.s32 $0x2080;
	[dreg:$0xa] =	wrdreg s13  }
0x9: {  	s4 =	srdreg.scid;
	s16 =	simm.s32 $0x2880;
	[dreg:$0xb] =	wrdreg s14  }
0xa: {  	s1 =	stileid.u32;
	s18 =	simm.s32 $0x3080;
	[dreg:$0xc] =	wrdreg s16  }
0xb: {  	s19 =	simm.s32 $0x3880;
	s20 =	simm.s32 $0x4080;
	[dreg:$0xd] =	wrdreg s18  }
0xc: {  	s21 =	simm.s32 $0x4880;
	s22 =	simm.s32 $0x5080;
	[dreg:$0xe] =	wrdreg s19  }
0xd: {  	s23 =	simm.s32 $0x5880;
	s24 =	simm.s32 $0x6080;
	[dreg:$0xf] =	wrdreg s20  }
0xe: {  	s25 =	simm.s32 $0x6880;
	s26 =	simm.s32 $0x7080;
	[dreg:$0x10] =	wrdreg s21  }
0xf: {  	s28 =	simm.s32 $0xF080;
	s29 =	simm.s32 $0xF880;
	[dreg:$0x11] =	wrdreg s22  }
0x10: {  	s30 =	simm.s32 $0x2;
	s31 =	simm.s32 $0x40;
	[dreg:$0x12] =	wrdreg s23  }
0x11: {  	s4 =	sand.u32 $0x1, s4;
	s5 =	sshll.u32 s1, $0x1;
	[dreg:$0x13] =	wrdreg s24  }
0x12: {  	s5 =	sor.u32 s4, s5;
	s4 =	ssub.s32 $0x2, s4;
	[dreg:$0x14] =	wrdreg s25  }
0x13: {  	s11 =	simm.s32 $0x1;
	[dreg:$0x15] =	wrdreg s26;
	s13 =	simm.s32 $0x8080  }
0x14: {  	s14 =	simm.s32 $0x8880;
	s16 =	simm.s32 $0x9880;
	s18 =	simm.s32 $0xA880  }
0x15: {  	s19 =	simm.s32 $0xB080;
	s20 =	simm.s32 $0xB880;
	s21 =	simm.s32 $0xC080  }
0x16: {  	s22 =	simm.s32 $0xC880;
	s23 =	simm.s32 $0xD080;
	s24 =	simm.s32 $0xD880  }
0x17: {  	s25 =	simm.s32 $0xE080;
	s26 =	simm.s32 $0xE880;
	s8 =	sshll.u32 s5, $0x4  }
0x18: {  	s9 =	sshll.u32 s5, $0xD;
	s5 =	sshll.u32 s5, $0xA;
	s15 =	sshrl.u32 s4, $0x1  }
0x19: {  	s8 =	sadd.s32 s6, s8;
	s0 =	sadd.s32 s0, s9;
	s10 =	sadd.s32 s3, s5  }
0x1a: {  	s3 =	sadd.s32 $0x48200, s6;
	s17 =	ssub.s32 s4, s15;
	s4 =	sadd.s32 $0x48300, s6  }
0x1b: {  	s5 =	sadd.s32 $0x48400, s6;
	s6 =	sadd.s32 $0x48500, s6;
	[dreg:$0x5] =	wrdreg s8  }
0x1c: {  	v2 =	vlaneseq.u32;
	s9 =	simm.s32 $0x80;
	s15 =	simm.s32 $0x9080;
	[dreg:$0x6] =	wrdreg s0  }
0x1d: {  	vm0 =	vmmov $0xffff;
	v1 =	vshrl.u32 v2, $0x3;
	[dreg:$0x7] =	wrdreg s10;
	s7 =	smax.u32 s17, $0x1;
	s8 =	simm.s32 $0x4  }
0x1e: {  	v0 =	vand.u32 $0x7, v2;
	v2 =	vor.u32 $0x8, v2;
	v1 =	vmul.u32 $0x8, v1;
	s10 =	simm.s32 $0x10080;
	s17 =	simm.s32 $0xA080;
	s0 =	simm.s32 $0x3  }
.LBB2_1:
0x1f: {  	s1 =	rddreg [dreg:$0x5]  }
0x20: {  	[tilespmem:s2], [sflag:$0x4] =	stream.linear.gather [hbm4b:s1+s2], $0x80, $0x38;
	[tilespmem:$0x12080] =	vst v63  }
0x21: {  	_ =	swait.ge [sflag:s8], $0x80  }
0x22: {  	[sflag:s8] =	ssyncset.done $0x0  }
0x23: {  	s1 =	rddreg [dreg:$0x6];
	[sflag:s8] =	ssyncadd.s32 $0xFFFFFF80  }
0x24: {  	[tilespmem:s9], [sflag:$0x1] =	stream.linear.gather [hbm4b:s1+s2], $0x10000, $0x38;
	[tilespmem:$0x12080] =	vst v63  }
0x25: {  	s12 =	rddreg [dreg:$0x7]  }
0x26: {  	[tilespmem:s10], [sflag:$0x2] =	stream.linear.gather [hbm4b:s12+s2], $0x2000, $0x38;
	[tilespmem:$0x12080] =	vst v63  }
0x27: {  	_ =	swait.ge [sflag:s11], $0x10000  }
0x28: {  	[sflag:s11] =	ssyncset.done $0x0  }
0x29: {  	[sflag:s11] =	ssyncadd.s32 $0xFFFF0000  }
0x2a: {  	v3 =	vld [tilespmem:$0x0];
	_ =	sdelay $0x4  }
0x2b: {  	v4 =	vshll.u32 v3, $0x3  }
0x2c: {  	v3 =	vand.u32 $0x7, v3;
	v4 =	vand.u32 $0xFFFFFFC0, v4  }
0x2d: {  	v3 =	vor.u32 v3, v4  }
0x2e: {  	v4 =	vperm.xlane v3, v0;
	_ =	sdelay $0x1  }
0x2f: {  	v4 =	vadd.s32 v1, v4;
	_ =	sdelay $0x4  }
0x30: {  	[hbm4b:s3+s2] =	stream.indirect_vreg.scatter [tilespmem:s9], [sflag:$0x3], $0x80, v4, vm0, $0xb8;
	[tilespmem:$0x12080] =	vst v63  }
0x31: {  	s1 =	rddreg [dreg:$0x8];
	v3 =	vperm.xlane v3, v2  }
0x32: {  	[hbm4b:s4+s2] =	stream.indirect_vreg.scatter [tilespmem:s1], [sflag:$0x3], $0x80, v4, vm0, $0xb8;
	[tilespmem:$0x12080] =	vst v63  }
0x33: {  	s12 =	rddreg [dreg:$0x9];
	v3 =	vadd.s32 v1, v3  }
0x34: {  	[hbm4b:s5+s2] =	stream.indirect_vreg.scatter [tilespmem:s12], [sflag:$0x3], $0x80, v4, vm0, $0xb8;
	[tilespmem:$0x12080] =	vst v63  }
0x35: {  	s1 =	rddreg [dreg:$0xa]  }
0x36: {  	[hbm4b:s6+s2] =	stream.indirect_vreg.scatter [tilespmem:s1], [sflag:$0x3], $0x80, v4, vm0, $0xb8;
	[tilespmem:$0x12080] =	vst v63  }
0x37: {  	s12 =	rddreg [dreg:$0xb]  }
0x38: {  	[hbm4b:s3+s2] =	stream.indirect_vreg.scatter [tilespmem:s12], [sflag:$0x3], $0x80, v3, vm0, $0xb8;
	[tilespmem:$0x12080] =	vst v63  }
0x39: {  	s1 =	rddreg [dreg:$0xc]  }
0x3a: {  	[hbm4b:s4+s2] =	stream.indirect_vreg.scatter [tilespmem:s1], [sflag:$0x3], $0x80, v3, vm0, $0xb8;
	[tilespmem:$0x12080] =	vst v63  }
0x3b: {  	s12 =	rddreg [dreg:$0xd]  }
0x3c: {  	[hbm4b:s5+s2] =	stream.indirect_vreg.scatter [tilespmem:s12], [sflag:$0x3], $0x80, v3, vm0, $0xb8;
	[tilespmem:$0x12080] =	vst v63  }
0x3d: {  	s1 =	rddreg [dreg:$0xe]  }
0x3e: {  	[hbm4b:s6+s2] =	stream.indirect_vreg.scatter [tilespmem:s1], [sflag:$0x3], $0x80, v3, vm0, $0xb8;
	[tilespmem:$0x12080] =	vst v63  }
0x3f: {  	v3 =	vld [tilespmem:$0x10];
	_ =	sdelay $0x4  }
0x40: {  	v61 =	vshll.u32 v3, $0x3  }
0x41: {  	v3 =	vand.u32 $0x7, v3;
	v4 =	vand.u32 $0xFFFFFFC0, v61  }
0x42: {  	v3 =	vor.u32 v3, v4  }
0x43: {  	v4 =	vperm.xlane v3, v0;
	_ =	sdelay $0x1  }
0x44: {  	v4 =	vadd.s32 v1, v4;
	_ =	sdelay $0x3  }
0x45: {  	s1 =	rddreg [dreg:$0xf]  }
0x46: {  	[hbm4b:s3+s2] =	stream.indirect_vreg.scatter [tilespmem:s1], [sflag:$0x3], $0x80, v4, vm0, $0xb8;
	[tilespmem:$0x12080] =	vst v63  }
0x47: {  	s12 =	rddreg [dreg:$0x10];
	v3 =	vperm.xlane v3, v2  }
0x48: {  	[hbm4b:s4+s2] =	stream.indirect_vreg.scatter [tilespmem:s12], [sflag:$0x3], $0x80, v4, vm0, $0xb8;
	[tilespmem:$0x12080] =	vst v63  }
0x49: {  	v3 =	vadd.s32 v1, v3;
	s1 =	rddreg [dreg:$0x11]  }
0x4a: {  	[hbm4b:s5+s2] =	stream.indirect_vreg.scatter [tilespmem:s1], [sflag:$0x3], $0x80, v4, vm0, $0xb8;
	[tilespmem:$0x12080] =	vst v63  }
0x4b: {  	s12 =	rddreg [dreg:$0x12]  }
0x4c: {  	[hbm4b:s6+s2] =	stream.indirect_vreg.scatter [tilespmem:s12], [sflag:$0x3], $0x80, v4, vm0, $0xb8;
	[tilespmem:$0x12080] =	vst v63  }
0x4d: {  	s1 =	rddreg [dreg:$0x13]  }
0x4e: {  	[hbm4b:s3+s2] =	stream.indirect_vreg.scatter [tilespmem:s1], [sflag:$0x3], $0x80, v3, vm0, $0xb8;
	[tilespmem:$0x12080] =	vst v63  }
0x4f: {  	s12 =	rddreg [dreg:$0x14]  }
0x50: {  	[hbm4b:s4+s2] =	stream.indirect_vreg.scatter [tilespmem:s12], [sflag:$0x3], $0x80, v3, vm0, $0xb8;
	[tilespmem:$0x12080] =	vst v63  }
0x51: {  	s1 =	rddreg [dreg:$0x15]  }
0x52: {  	[hbm4b:s5+s2] =	stream.indirect_vreg.scatter [tilespmem:s1], [sflag:$0x3], $0x80, v3, vm0, $0xb8;
	[tilespmem:$0x12080] =	vst v63  }
0x53: {  	s12 =	simm.s32 $0x7880  }
0x54: {  	[hbm4b:s6+s2] =	stream.indirect_vreg.scatter [tilespmem:s12], [sflag:$0x3], $0x80, v3, vm0, $0xb8;
	[tilespmem:$0x12080] =	vst v63  }
0x55: {  	v3 =	vld [tilespmem:$0x20];
	_ =	sdelay $0x4  }
0x56: {  	v62 =	vshll.u32 v3, $0x3  }
0x57: {  	v3 =	vand.u32 $0x7, v3;
	v4 =	vand.u32 $0xFFFFFFC0, v62  }
0x58: {  	v3 =	vor.u32 v3, v4  }
0x59: {  	v4 =	vperm.xlane v3, v0;
	_ =	sdelay $0x1  }
0x5a: {  	v4 =	vadd.s32 v1, v4;
	_ =	sdelay $0x4  }
0x5b: {  	[hbm4b:s3+s2] =	stream.indirect_vreg.scatter [tilespmem:s13], [sflag:$0x3], $0x80, v4, vm0, $0xb8;
	[tilespmem:$0x12080] =	vst v63  }
0x5c: {  	v3 =	vperm.xlane v3, v2  }
0x5d: {  	[hbm4b:s4+s2] =	stream.indirect_vreg.scatter [tilespmem:s14], [sflag:$0x3], $0x80, v4, vm0, $0xb8;
	[tilespmem:$0x12080] =	vst v63  }
0x5e: {  	v3 =	vadd.s32 v1, v3  }
0x5f: {  	[hbm4b:s5+s2] =	stream.indirect_vreg.scatter [tilespmem:s15], [sflag:$0x3], $0x80, v4, vm0, $0xb8;
	[tilespmem:$0x12080] =	vst v63  }
0x60: {  	_ = 	snop  }
0x61: {  	[hbm4b:s6+s2] =	stream.indirect_vreg.scatter [tilespmem:s16], [sflag:$0x3], $0x80, v4, vm0, $0xb8;
	[tilespmem:$0x12080] =	vst v63  }
0x62: {  	_ = 	snop  }
0x63: {  	[hbm4b:s3+s2] =	stream.indirect_vreg.scatter [tilespmem:s17], [sflag:$0x3], $0x80, v3, vm0, $0xb8;
	[tilespmem:$0x12080] =	vst v63  }
0x64: {  	_ = 	snop  }
0x65: {  	[hbm4b:s4+s2] =	stream.indirect_vreg.scatter [tilespmem:s18], [sflag:$0x3], $0x80, v3, vm0, $0xb8;
	[tilespmem:$0x12080] =	vst v63  }
0x66: {  	_ = 	snop  }
0x67: {  	[hbm4b:s5+s2] =	stream.indirect_vreg.scatter [tilespmem:s19], [sflag:$0x3], $0x80, v3, vm0, $0xb8;
	[tilespmem:$0x12080] =	vst v63  }
0x68: {  	_ = 	snop  }
0x69: {  	[hbm4b:s6+s2] =	stream.indirect_vreg.scatter [tilespmem:s20], [sflag:$0x3], $0x80, v3, vm0, $0xb8;
	[tilespmem:$0x12080] =	vst v63  }
0x6a: {  	v3 =	vld [tilespmem:$0x30];
	_ =	sdelay $0x4  }
0x6b: {  	v63 =	vshll.u32 v3, $0x3  }
0x6c: {  	v3 =	vand.u32 $0x7, v3;
	v4 =	vand.u32 $0xFFFFFFC0, v63  }
0x6d: {  	v3 =	vor.u32 v3, v4  }
0x6e: {  	v4 =	vperm.xlane v3, v0;
	_ =	sdelay $0x1  }
0x6f: {  	v4 =	vadd.s32 v1, v4;
	_ =	sdelay $0x4  }
0x70: {  	[hbm4b:s3+s2] =	stream.indirect_vreg.scatter [tilespmem:s21], [sflag:$0x3], $0x80, v4, vm0, $0xb8;
	[tilespmem:$0x12080] =	vst v63  }
0x71: {  	v3 =	vperm.xlane v3, v2  }
0x72: {  	[hbm4b:s4+s2] =	stream.indirect_vreg.scatter [tilespmem:s22], [sflag:$0x3], $0x80, v4, vm0, $0xb8;
	[tilespmem:$0x12080] =	vst v63  }
0x73: {  	v3 =	vadd.s32 v1, v3  }
0x74: {  	[hbm4b:s5+s2] =	stream.indirect_vreg.scatter [tilespmem:s23], [sflag:$0x3], $0x80, v4, vm0, $0xb8;
	[tilespmem:$0x12080] =	vst v63  }
0x75: {  	_ = 	snop  }
0x76: {  	[hbm4b:s6+s2] =	stream.indirect_vreg.scatter [tilespmem:s24], [sflag:$0x3], $0x80, v4, vm0, $0xb8;
	[tilespmem:$0x12080] =	vst v63  }
0x77: {  	_ = 	snop  }
0x78: {  	[hbm4b:s3+s2] =	stream.indirect_vreg.scatter [tilespmem:s25], [sflag:$0x3], $0x80, v3, vm0, $0xb8;
	[tilespmem:$0x12080] =	vst v63  }
0x79: {  	_ = 	snop  }
0x7a: {  	[hbm4b:s4+s2] =	stream.indirect_vreg.scatter [tilespmem:s26], [sflag:$0x3], $0x80, v3, vm0, $0xb8;
	[tilespmem:$0x12080] =	vst v63  }
0x7b: {  	_ = 	snop  }
0x7c: {  	[hbm4b:s5+s2] =	stream.indirect_vreg.scatter [tilespmem:s28], [sflag:$0x3], $0x80, v3, vm0, $0xb8;
	[tilespmem:$0x12080] =	vst v63  }
0x7d: {  	_ = 	snop  }
0x7e: {  	[hbm4b:s6+s2] =	stream.indirect_vreg.scatter [tilespmem:s29], [sflag:$0x3], $0x80, v3, vm0, $0xb8;
	[tilespmem:$0x12080] =	vst v63  }
0x7f: {  	_ =	swait.ge [sflag:s30], $0x2000  }
0x80: {  	[sflag:s30] =	ssyncset.done $0x0  }
0x81: {  	s12 =	rddreg [dreg:$0x4];
	[sflag:s30] =	ssyncadd.s32 $0xFFFFE000  }
0x82: {  	[hbm4b:s12+s31] =	stream.indirect.scatter [tilespmem:s10], [sflag:$0x2], $0x80, s2, s31, $0xb8;
	[tilespmem:$0x12080] =	vst v63  }
0x83: {  	p0 =	sne.s32 s7, $0x1;
	_ =	swait.ge [sflag:s0], $0x10000  }
.Ltmp0:
0x84: {  	[sflag:s0] =	ssyncset.done $0x0;
	(pc) =	sbr.rel @p0 .LBB2_1-.Ltmp0, $4  }
0x85: {  	[sflag:s0] =	ssyncadd.s32 $0xFFFF0000  }
0x86: {  	_ =	swait.ge [sflag:s30], $0x2000  }
0x87: {  	[sflag:s30] =	ssyncset.done $0x0  }
0x88: {  	s7 =	sadd.s32 $0xFFFFFFFF, s7;
	[sflag:s30] =	ssyncadd.s32 $0xFFFFE000  }
0x89: {  	_ =	sfence.sel $0x180000  }
0x8a: {  	[bflag:$0x0] =	sbarrier.arrive $0xFFFF  }
0x8b: {  	_ =	strace $0x90000047  }
0x8c: {  	s0 =	stileid.u32;
	[bflag:$0x2] =	sbarrier.arrive $0xFFFF  }
0x8d: {  	p0 =	sne.s32 s0, $0x0;
	s0 =	rddreg [dreg:$0x3]  }
0x8e: {  	s0 =	sadd.s32 @!p0 $0x100000, s0  }
0x8f: {  	[sflag:s0] =	ssyncadd.tile.s32 @!p0 $0x1;
	_ =	shalt  }
.Lfunc_end2:
_tile_overlayer_lowered:
.L_overlay_start_2:
0x90: {  	(tag) =	ssettag $0x2  }
0x91: {  	s0 =	rddreg [dreg:$0x0];
	s2 =	stileid.u32  }
0x92: {  	s1 =	rddreg [dreg:$0x1];
	p0 =	sne.s32 s2, $0x0  }
0x93: {  	s3 =	rddreg [dreg:$0x2];
	[bflag:$0x3] =	sbarrier.arrive $0xFFFF;
	s2 =	simm.s32 @!p0 $0x1C04  }
0x94: {  	[timem:s3], [sflag:s2] =	dma.local @!p0 [hbm:s0], s1  }
0x95: {  	s0 =	simm.s32 @!p0 $0x4  }
0x96: {  	_ =	swait.ge @!p0 [sflag:s0], s1  }
0x97: {  	s1 =	ssub.s32 @!p0 $0x0, s1;
	[sflag:s0] =	ssyncset.done @!p0 $0x0  }
0x98: {  	[sflag:s0] =	ssyncadd.s32 @!p0 s1  }
0x99: {  	[bflag:$0x3] =	sbarrier.arrive $0xFFFF  }
0x9a: {  	_ =	shalt  }

// kernel: kernel.8.cloned.1.call-start
scs
__scs_entry_jumppad:
0x0: {  	(pc) =	sbr.rel $0x88, $3  }
0x1: {  	(tag) =	ssettag $0x0;
	lr =	simm.s32 $0x1  }
0x2: {  	[smem:$0x3F9B] =	sst lr;
	_ =	strace $0xD0000000  }
0x3: {  	_ = 	snop  }
0x4: {  	_ = 	snop  }
0x5: {  	_ = 	snop  }
0x6: {  	_ = 	snop  }
0x7: {  	_ = 	snop  }
__scs_overlays_trampoline_lowered:
0x8: {  	[smem:$0x3FAA] =	sst s0  }
0x9: {  	[smem:$0x3FAB] =	sst s1  }
0xa: {  	[smem:$0x3FAC] =	sst s2  }
0xb: {  	[smem:$0x3FAD] =	sst s3  }
0xc: {  	[smem:$0x3FAE] =	sst s4  }
0xd: {  	[smem:$0x3FAF] =	sst s5  }
0xe: {  	[smem:$0x3FB0] =	sst s6  }
0xf: {  	[smem:$0x3FB1] =	sst s7  }
0x10: {  	[smem:$0x3FB2] =	sst s8  }
0x11: {  	[smem:$0x3FB3] =	sst s9;
	s0 =	simm.s32 @!p0 $0x0  }
0x12: {  	s1 =	sld [smem:$0x3F99];
	s0 =	simm.s32 @p0 $0x1  }
0x13: {  	[smem:$0x3FB4] =	sst s0;
	s0 =	simm.s32 @!p1 $0x0  }
0x14: {  	s2 =	sld [smem:$0x3F98];
	s0 =	simm.s32 @p1 $0x1  }
0x15: {  	[smem:$0x3FB5] =	sst s0;
	s0 =	simm.s32 @!p2 $0x0  }
0x16: {  	s3 =	sld [smem:$0x3FDB];
	s0 =	simm.s32 @p2 $0x1  }
0x17: {  	s4 =	simm.s32 $0x1BF5;
	[smem:$0x3FB7] =	sst s0  }
0x18: {  	s0 =	sld [smem:$0x3F9A];
	_ =	swait.ge [sflag:s4], $0x0  }
0x19: {  	s7 =	sld [smem:$0x3F9B]  }
0x1a: {  	s8 =	sadd.s32 $0xFFFFE003, lr  }
0x1b: {  	s9 =	sadd.s32 $0xFFFFFEF7, lr;
	s5 =	simm.s32 $0xFFFFFFFF;
	p2 =	slt.u32 s8, $0xFFFFF086  }
0x1c: {  	p1 =	slt.u32 s9, $0xF7A;
	s5 =	simm.s32 @!p2 $0x0  }
0x1d: {  	s5 =	simm.s32 @p1 $0x1;
	p0 =	seq.s32 s7, s2  }
0x1e: {  	s7 =	smul.u32 @!p0 $0xF7A, s2;
	p2 =	seq.s32 @!p0 s5, $0x0  }
0x1f: {  	s9 =	smul.u32 $0xF7A, s1;
	s8 =	simm.s32 @!p0 $0x1BF5;
	p2 =	por !p2, p0  }
0x20: {  	[sflag:s8] =	ssyncset.s32 @!p0 $0xFFFFF086;
	s6 =	sadd.s32 @!p0 s3, s7;
	s7 =	simm.s32 @!p0 $0x108  }
0x21: {  	s3 =	sadd.s32 s3, s9;
	s6 =	sadd.s32 @!p0 $0x88, s6;
	s7 =	simm.s32 @p2 $0x1082  }
0x22: {  	[simem:s7], [sflag:s8] =	dma.local @!p0 [hbm:s6], $0xF7A  }
0x23: {  	s9 =	sor.u32 $0xD0000000, s2;
	s6 =	simm.s32 $0x108;
	_ =	swait.ge @!p0 [sflag:s8], $0x0  }
0x24: {  	s3 =	sadd.s32 $0x88, s3;
	s6 =	simm.s32 @!p1 $0x1082;
	[sflag:s4] =	ssyncset.s32 $0xFFFFF086  }
0x25: {  	[simem:s6], [sflag:s4] =	dma.local [hbm:s3], $0xF7A  }
0x26: {  	[smem:$0x3F9B] =	sst s1;
	(tag) =	ssettag s2;
	_ =	strace s9  }
0x27: {  	s1 =	sld [smem:$0x3FAB]  }
0x28: {  	s2 =	sld [smem:$0x3FAC]  }
0x29: {  	s4 =	sld [smem:$0x3FAE]  }
0x2a: {  	p0 =	seq.s32 s5, $0x0;
	s5 =	sld [smem:$0x3FAF]  }
0x2b: {  	s6 =	sld [smem:$0x3FB0]  }
0x2c: {  	s7 =	sld [smem:$0x3FB1]  }
0x2d: {  	s3 =	simm.s32 $0x108;
	s8 =	sld [smem:$0x3FB2]  }
0x2e: {  	s3 =	simm.s32 @!p0 $0x1082;
	s9 =	sld [smem:$0x3FB3]  }
0x2f: {  	lr =	sadd.s32 s0, s3;
	s0 =	sld [smem:$0x3FAA]  }
0x30: {  	s3 =	sld [smem:$0x3FAD]  }
0x31: {  	[smem:$0x3FB6] =	sst s10  }
0x32: {  	s10 =	sld [smem:$0x3FB4];
	_ =	sdelay $0x3  }
0x33: {  	p0 =	seq.s32 s10, $0x1;
	s10 =	sld [smem:$0x3FB6];
	_ =	sdelay $0x3  }
0x34: {  	[smem:$0x3FB6] =	sst s10  }
0x35: {  	s10 =	sld [smem:$0x3FB5];
	_ =	sdelay $0x3  }
0x36: {  	p1 =	seq.s32 s10, $0x1;
	s10 =	sld [smem:$0x3FB6];
	_ =	sdelay $0x3  }
0x37: {  	[smem:$0x3FB6] =	sst s10  }
0x38: {  	s10 =	sld [smem:$0x3FB7]  }
0x39: {  	_ = 	snop;
	(pc) =	sbr.ind lr, $3  }
0x3a: {  	_ = 	snop  }
0x3b: {  	_ = 	snop  }
0x3c: {  	p2 =	seq.s32 s10, $0x1;
	s10 =	sld [smem:$0x3FB6]  }
0x3d: {  	_ =	shalt  }
0x3e: {  	_ =	shalt  }
0x3f: {  	_ =	shalt  }
0x40: {  	_ =	shalt  }
0x41: {  	_ =	shalt  }
0x42: {  	_ =	shalt  }
0x43: {  	_ =	shalt  }
0x44: {  	_ =	shalt  }
0x45: {  	_ =	shalt  }
0x46: {  	_ =	shalt  }
0x47: {  	_ =	shalt  }
0x48: {  	_ =	shalt  }
0x49: {  	_ =	shalt  }
0x4a: {  	_ =	shalt  }
0x4b: {  	_ =	shalt  }
0x4c: {  	_ =	shalt  }
0x4d: {  	_ =	shalt  }
0x4e: {  	_ =	shalt  }
0x4f: {  	_ =	shalt  }
0x50: {  	_ =	shalt  }
0x51: {  	_ =	shalt  }
0x52: {  	_ =	shalt  }
0x53: {  	_ =	shalt  }
0x54: {  	_ =	shalt  }
0x55: {  	_ =	shalt  }
0x56: {  	_ =	shalt  }
0x57: {  	_ =	shalt  }
0x58: {  	_ =	shalt  }
0x59: {  	_ =	shalt  }
0x5a: {  	_ =	shalt  }
0x5b: {  	_ =	shalt  }
0x5c: {  	_ =	shalt  }
0x5d: {  	_ =	shalt  }
0x5e: {  	_ =	shalt  }
0x5f: {  	_ =	shalt  }
0x60: {  	_ =	shalt  }
0x61: {  	_ =	shalt  }
0x62: {  	_ =	shalt  }
0x63: {  	_ =	shalt  }
0x64: {  	_ =	shalt  }
0x65: {  	_ =	shalt  }
0x66: {  	_ =	shalt  }
0x67: {  	_ =	shalt  }
0x68: {  	_ =	shalt  }
0x69: {  	_ =	shalt  }
0x6a: {  	_ =	shalt  }
0x6b: {  	_ =	shalt  }
0x6c: {  	_ =	shalt  }
0x6d: {  	_ =	shalt  }
0x6e: {  	_ =	shalt  }
0x6f: {  	_ =	shalt  }
0x70: {  	_ =	shalt  }
0x71: {  	_ =	shalt  }
0x72: {  	_ =	shalt  }
0x73: {  	_ =	shalt  }
0x74: {  	_ =	shalt  }
0x75: {  	_ =	shalt  }
0x76: {  	_ =	shalt  }
0x77: {  	_ =	shalt  }
0x78: {  	_ =	shalt  }
0x79: {  	_ =	shalt  }
0x7a: {  	_ =	shalt  }
0x7b: {  	_ =	shalt  }
0x7c: {  	_ =	shalt  }
0x7d: {  	_ =	shalt  }
0x7e: {  	_ =	shalt  }
0x7f: {  	_ =	shalt  }
0x80: {  	_ =	shalt  }
0x81: {  	_ =	shalt  }
0x82: {  	_ =	shalt  }
0x83: {  	_ =	shalt  }
0x84: {  	_ =	shalt  }
0x85: {  	_ =	shalt  }
0x86: {  	_ =	shalt  }
0x87: {  	_ =	shalt  }
.Lfunc_end0:
.L_simem_size_0:
called_computation.1_lowered:
.L_overlay_start_0:
0x88: {  	s2 =	sld [smem:$0x3FD9]  }
0x89: {  	s3 =	sld [smem:$0x3FFE];
	_ =	sdelay $0x1  }
0x8a: {  	s1 =	srdreg.scid  }
0x8b: {  	s0 =	sand.u32 $0x1, s1  }
0x8c: {  	s17 =	sshll.u32 s0, $0xA;
	s2 =	sadd.s32 s3, s2  }
0x8d: {  	s2 =	sadd.s32 s2, s17  }
0x8e: {  	[smem:$0x3FC2] =	sst s2  }
0x8f: {  	_ = 	snop  }
0x90: {  	s2 =	sld [smem:$0x3FD0];
	(tm) =	ssettm $0x1  }
0x91: {  	s18 =	sld [smem:$0x3FFB];
	_ =	sdelay $0x3  }
0x92: {  	_ =	strace s18  }
0x93: {  	s3 =	sld [smem:$0x3FFC];
	_ =	sdelay $0x3  }
0x94: {  	_ =	strace s3  }
0x95: {  	s3 =	sld [smem:$0x3FFD];
	_ =	sdelay $0x3  }
0x96: {  	_ =	strace s3  }
0x97: {  	_ =	strace $0x8FFFFFFF  }
0x98: {  	s19 =	sld [smem:$0x3FDB];
	_ =	sdelay $0x1  }
0x99: {  	s4 =	simm.s32 $_scs_section_size  }
0x9a: {  	s5 =	simm.s32 $_size__tile_overlayer_lowered;
	s6 =	simm.s32 $_tile_overlayer_lowered  }
0x9b: {  	s22 =	simm.s32 $0x1BFF;
	s21 =	sshll.u32 s6, $0x1;
	s3 =	sadd.s32 s4, s19  }
0x9c: {  	s7 =	simm.s32 $0x0;
	s20 =	sshll.u32 s5, $0x1;
	s5 =	sadd.s32 s21, s3  }
0x9d: {  	[timem:s7], [sflag:s22] =	dma.local [hbm:s5], s20  }
0x9e: {  	_ =	swait.ge [sflag:s22], s20  }
0x9f: {  	s4 =	ssub.s32 $0x0, s20;
	[sflag:s22] =	ssyncset.done $0x0  }
0xa0: {  	[sflag:s22] =	ssyncadd.s32 s4;
	_ =	sdelay $0x1  }
0xa1: {  	s23 =	simm.s32 $0x1B8B  }
0xa2: {  	_ =	swait.ge [sflag:s23], $0x1  }
0xa3: {  	[sflag:s23] =	ssyncset.done $0x0  }
0xa4: {  	s25 =	simm.s32 $0x1B8E;
	s24 =	sld [smem:$0x3FFE];
	[sflag:s23] =	ssyncadd.s32 $0xFFFFFFFF  }
0xa5: {  	s26 =	simm.s32 $execute0_lowered;
	[smem:$0x3FD2] =	sst s25  }
0xa6: {  	s5 =	sshll.u32 s26, $0x1;
	_ =	strace $0x80000049;
	[dreg:$0x1] =	wrdreg $0xFFFFFFFF  }
0xa7: {  	s28 =	simm.s32 $_size_execute0_lowered;
	s3 =	sadd.s32 s3, s5;
	[dreg:$0x0] =	wrdreg $0x0  }
0xa8: {  	s5 =	sshll.u32 s28, $0x1;
	[dreg:$0x2] =	wrdreg s3  }
0xa9: {  	[dreg:$0x3] =	wrdreg s5  }
0xaa: {  	[dreg:$0x4] =	wrdreg $0xC0  }
0xab: {  	_ =	task [dreg:s7], $0x5FFFF  }
0xac: {  	[dreg:$0x1] =	wrdreg $0xFFFFFFFF  }
0xad: {  	[dreg:$0x0] =	wrdreg $0x60  }
0xae: {  	[dreg:$0x2] =	wrdreg s24  }
0xaf: {  	[dreg:$0x3] =	wrdreg s2  }
0xb0: {  	[dreg:$0x4] =	wrdreg $0x9  }
0xb1: {  	_ =	task.clear_ibuf [dreg:s7], $0x5FFFF;
	_ =	strace $0x90000049  }
0xb2: {  	s29 =	simm.s32 $0x9;
	_ =	strace $0x8000004B  }
0xb3: {  	_ =	swait.ge [sflag:s29], $0x1  }
0xb4: {  	[sflag:s29] =	ssyncadd.s32 $0xFFFFFFFF  }
0xb5: {  	_ =	strace $0x9000004B  }
0xb6: {  	_ =	sfence  }
0xb7: {  	s30 =	sld [smem:$0x0];
	_ =	sdelay $0x2  }
0xb8: {  	s31 =	sshll.u32 s1, $0xD;
	s1 =	sshrl.u32 s1, $0x2  }
0xb9: {  	s3 =	sand.u32 $0x4000, s31;
	s1 =	sadd.s32 s1, s30  }
0xba: {  	s0 =	sor.u32 s3, s0;
	s1 =	sshll.u32 s1, $0x11  }
0xbb: {  	s0 =	sor.u32 s1, s0  }
0xbc: {  	s0 =	sadd.s32 $0x8F2B, s0  }
0xbd: {  	[sflag:s0] =	ssyncadd.remote.s32 $0x1  }
0xbe: {  	_ =	sfence.sel $0xFFFF  }
0xbf: {  	[dreg:$0x0] =	wrdreg $0xFFFFFFFF;
	(pc) =	sbr.abs _section_cstart, $3  }
0xc0: {  	[dreg:$0x1] =	wrdreg $0xFFFFFFFF  }
0xc1: {  	_ =	task.clear_ibuf [dreg:s7], $0x2FFFF;
	_ =	strace $0x9FFFFFFF  }
0xc2: {  	(tm) =	ssettm $0x7FFFFFFF  }
0xc3: {  	_ =	shalt  }
tec
execute0_lowered:
.L_overlay_start_1:
0x0: {  	(tag) =	ssettag $0x1  }
0x1: {  	s1 =	srdreg.scid;
	s7 =	rddreg [dreg:$0x0]  }
0x2: {  	s0 =	stileid.u32;
	s3 =	rddreg [dreg:$0x1]  }
0x3: {  	s15 =	simm.s32 $0x900;
	s1 =	sand.u32 $0x1, s1;
	s2 =	sshll.u32 s0, $0x1  }
0x4: {  	s16 =	simm.s32 $0x1100;
	s4 =	sor.u32 s1, s2;
	s2 =	simm.s32 $0x0  }
0x5: {  	s17 =	simm.s32 $0x1900;
	s18 =	simm.s32 $0x2100;
	[smem:$0x7FF] =	sst s2  }
0x6: {  	s19 =	simm.s32 $0x2900;
	_ =	strace $0x8000004A;
	[dreg:$0x5] =	wrdreg s15  }
0x7: {  	s20 =	simm.s32 $0x3100;
	s21 =	simm.s32 $0x3900;
	[dreg:$0x6] =	wrdreg s16  }
0x8: {  	s22 =	simm.s32 $0x4100;
	s23 =	simm.s32 $0x4900;
	[dreg:$0x7] =	wrdreg s17  }
0x9: {  	s24 =	simm.s32 $0x5100;
	s8 =	simm.s32 $0x5900;
	[dreg:$0x8] =	wrdreg s18  }
0xa: {  	s25 =	simm.s32 $0x6100;
	s9 =	simm.s32 $0x6900;
	[dreg:$0x9] =	wrdreg s19  }
0xb: {  	s26 =	simm.s32 $0x7100;
	s10 =	simm.s32 $0x100;
	[dreg:$0xa] =	wrdreg s20  }
0xc: {  	s12 =	simm.s32 $0x8100;
	s13 =	simm.s32 $0x8900;
	[dreg:$0xb] =	wrdreg s21  }
0xd: {  	s14 =	simm.s32 $0x9100;
	s28 =	simm.s32 $0xF900;
	[dreg:$0xc] =	wrdreg s22  }
0xe: {  	s29 =	simm.s32 $0x1;
	s30 =	simm.s32 $0x2;
	[dreg:$0xd] =	wrdreg s23  }
0xf: {  	s31 =	simm.s32 $0x3;
	s1 =	ssub.s32 $0x2, s1;
	[dreg:$0xe] =	wrdreg s24  }
0x10: {  	s5 =	sshll.u32 s4, $0x5;
	s4 =	sshll.u32 s4, $0xD;
	[dreg:$0xf] =	wrdreg s8  }
0x11: {  	s6 =	sshrl.u32 s1, $0x1;
	s5 =	sadd.s32 s5, s7;
	[dreg:$0x10] =	wrdreg s25  }
0x12: {  	s3 =	sadd.s32 s3, s4;
	s1 =	ssub.s32 s1, s6;
	[dreg:$0x11] =	wrdreg s9  }
0x13: {  	s6 =	sadd.s32 $0x288800, s7;
	s9 =	simm.s32 $0x5;
	[dreg:$0x12] =	wrdreg s26  }
0x14: {  	s15 =	simm.s32 $0x9900;
	s16 =	simm.s32 $0xA100;
	s17 =	simm.s32 $0xA900  }
0x15: {  	s18 =	simm.s32 $0xB100;
	s19 =	simm.s32 $0xB900;
	s20 =	simm.s32 $0xC100  }
0x16: {  	s21 =	simm.s32 $0xC900;
	s22 =	simm.s32 $0xD100;
	s23 =	simm.s32 $0xD900  }
0x17: {  	s24 =	simm.s32 $0xE100;
	s25 =	simm.s32 $0xE900;
	s26 =	simm.s32 $0xF100  }
0x18: {  	v2 =	vlaneseq.u32;
	s5 =	sadd.s32 $0x288200, s5;
	s4 =	sadd.s32 $0x1000, s3;
	s8 =	smax.u32 s1, $0x1  }
0x19: {  	vm0 =	vmmov $0xffff;
	v1 =	vshrl.u32 v2, $0x3;
	s1 =	simm.s32 $0x4;
	[dreg:$0x4] =	wrdreg s4;
	s4 =	sadd.s32 $0x288600, s7  }
0x1a: {  	v0 =	vand.u32 $0x7, v2;
	v2 =	vor.u32 $0x8, v2;
	v1 =	vmul.u32 $0x8, v1;
	[dreg:$0x3] =	wrdreg s5;
	s5 =	sadd.s32 $0x288700, s7;
	s7 =	sadd.s32 $0x288900, s7  }
.LBB2_1:
0x1b: {  	s0 =	rddreg [dreg:$0x3]  }
0x1c: {  	[tilespmem:s2], [sflag:$0x5] =	stream.linear.gather [hbm4b:s0+s2], $0x100, $0x38;
	[tilespmem:$0x10100] =	vst v63  }
0x1d: {  	_ =	swait.ge [sflag:s9], $0x100  }
0x1e: {  	[sflag:s9] =	ssyncset.done $0x0  }
0x1f: {  	[sflag:s9] =	ssyncadd.s32 $0xFFFFFF00  }
0x20: {  	v3 =	vld [tilespmem:$0x0];
	_ =	sdelay $0x4  }
0x21: {  	v4 =	vshll.u32 v3, $0x3  }
0x22: {  	v3 =	vand.u32 $0x7, v3;
	v4 =	vand.u32 $0xFFFFFFC0, v4  }
0x23: {  	v3 =	vor.u32 v3, v4  }
0x24: {  	v4 =	vperm.xlane v3, v0;
	_ =	sdelay $0x1  }
0x25: {  	v4 =	vadd.s32 v1, v4;
	_ =	sdelay $0x4  }
0x26: {  	[tilespmem:s10], [sflag:$0x1] =	stream.indirect_vreg.gather [hbm4b:s4+s2], $0x80, v4, vm0, $0xb8;
	[tilespmem:$0x10100] =	vst v63  }
0x27: {  	s0 =	rddreg [dreg:$0x5];
	v3 =	vperm.xlane v3, v2  }
0x28: {  	[tilespmem:s0], [sflag:$0x1] =	stream.indirect_vreg.gather [hbm4b:s5+s2], $0x80, v4, vm0, $0xb8;
	[tilespmem:$0x10100] =	vst v63  }
0x29: {  	s11 =	rddreg [dreg:$0x6];
	v3 =	vadd.s32 v1, v3  }
0x2a: {  	[tilespmem:s11], [sflag:$0x1] =	stream.indirect_vreg.gather [hbm4b:s6+s2], $0x80, v4, vm0, $0xb8;
	[tilespmem:$0x10100] =	vst v63  }
0x2b: {  	s0 =	rddreg [dreg:$0x7]  }
0x2c: {  	[tilespmem:s0], [sflag:$0x1] =	stream.indirect_vreg.gather [hbm4b:s7+s2], $0x80, v4, vm0, $0xb8;
	[tilespmem:$0x10100] =	vst v63  }
0x2d: {  	s11 =	rddreg [dreg:$0x8]  }
0x2e: {  	[tilespmem:s11], [sflag:$0x1] =	stream.indirect_vreg.gather [hbm4b:s4+s2], $0x80, v3, vm0, $0xb8;
	[tilespmem:$0x10100] =	vst v63  }
0x2f: {  	s0 =	rddreg [dreg:$0x9]  }
0x30: {  	[tilespmem:s0], [sflag:$0x1] =	stream.indirect_vreg.gather [hbm4b:s5+s2], $0x80, v3, vm0, $0xb8;
	[tilespmem:$0x10100] =	vst v63  }
0x31: {  	s11 =	rddreg [dreg:$0xa]  }
0x32: {  	[tilespmem:s11], [sflag:$0x1] =	stream.indirect_vreg.gather [hbm4b:s6+s2], $0x80, v3, vm0, $0xb8;
	[tilespmem:$0x10100] =	vst v63  }
0x33: {  	s0 =	rddreg [dreg:$0xb]  }
0x34: {  	[tilespmem:s0], [sflag:$0x1] =	stream.indirect_vreg.gather [hbm4b:s7+s2], $0x80, v3, vm0, $0xb8;
	[tilespmem:$0x10100] =	vst v63  }
0x35: {  	v3 =	vld [tilespmem:$0x10];
	_ =	sdelay $0x4  }
0x36: {  	v61 =	vshll.u32 v3, $0x3  }
0x37: {  	v3 =	vand.u32 $0x7, v3;
	v4 =	vand.u32 $0xFFFFFFC0, v61  }
0x38: {  	v3 =	vor.u32 v3, v4  }
0x39: {  	v4 =	vperm.xlane v3, v0;
	_ =	sdelay $0x1  }
0x3a: {  	v4 =	vadd.s32 v1, v4;
	_ =	sdelay $0x3  }
0x3b: {  	s0 =	rddreg [dreg:$0xc]  }
0x3c: {  	[tilespmem:s0], [sflag:$0x1] =	stream.indirect_vreg.gather [hbm4b:s4+s2], $0x80, v4, vm0, $0xb8;
	[tilespmem:$0x10100] =	vst v63  }
0x3d: {  	s11 =	rddreg [dreg:$0xd];
	v3 =	vperm.xlane v3, v2  }
0x3e: {  	[tilespmem:s11], [sflag:$0x1] =	stream.indirect_vreg.gather [hbm4b:s5+s2], $0x80, v4, vm0, $0xb8;
	[tilespmem:$0x10100] =	vst v63  }
0x3f: {  	v3 =	vadd.s32 v1, v3;
	s0 =	rddreg [dreg:$0xe]  }
0x40: {  	[tilespmem:s0], [sflag:$0x1] =	stream.indirect_vreg.gather [hbm4b:s6+s2], $0x80, v4, vm0, $0xb8;
	[tilespmem:$0x10100] =	vst v63  }
0x41: {  	s11 =	rddreg [dreg:$0xf]  }
0x42: {  	[tilespmem:s11], [sflag:$0x1] =	stream.indirect_vreg.gather [hbm4b:s7+s2], $0x80, v4, vm0, $0xb8;
	[tilespmem:$0x10100] =	vst v63  }
0x43: {  	s0 =	rddreg [dreg:$0x10]  }
0x44: {  	[tilespmem:s0], [sflag:$0x1] =	stream.indirect_vreg.gather [hbm4b:s4+s2], $0x80, v3, vm0, $0xb8;
	[tilespmem:$0x10100] =	vst v63  }
0x45: {  	s11 =	rddreg [dreg:$0x11]  }
0x46: {  	[tilespmem:s11], [sflag:$0x1] =	stream.indirect_vreg.gather [hbm4b:s5+s2], $0x80, v3, vm0, $0xb8;
	[tilespmem:$0x10100] =	vst v63  }
0x47: {  	s0 =	rddreg [dreg:$0x12]  }
0x48: {  	[tilespmem:s0], [sflag:$0x1] =	stream.indirect_vreg.gather [hbm4b:s6+s2], $0x80, v3, vm0, $0xb8;
	[tilespmem:$0x10100] =	vst v63  }
0x49: {  	s11 =	simm.s32 $0x7900  }
0x4a: {  	[tilespmem:s11], [sflag:$0x1] =	stream.indirect_vreg.gather [hbm4b:s7+s2], $0x80, v3, vm0, $0xb8;
	[tilespmem:$0x10100] =	vst v63  }
0x4b: {  	v3 =	vld [tilespmem:$0x80];
	_ =	sdelay $0x4  }
0x4c: {  	v62 =	vshll.u32 v3, $0x3  }
0x4d: {  	v3 =	vand.u32 $0x7, v3;
	v4 =	vand.u32 $0xFFFFFFC0, v62  }
0x4e: {  	v3 =	vor.u32 v3, v4  }
0x4f: {  	v4 =	vperm.xlane v3, v0;
	_ =	sdelay $0x1  }
0x50: {  	v4 =	vadd.s32 v1, v4;
	_ =	sdelay $0x4  }
0x51: {  	[tilespmem:s12], [sflag:$0x2] =	stream.indirect_vreg.gather [hbm4b:s4+s2], $0x80, v4, vm0, $0xb8;
	[tilespmem:$0x10100] =	vst v63  }
0x52: {  	v3 =	vperm.xlane v3, v2  }
0x53: {  	[tilespmem:s13], [sflag:$0x2] =	stream.indirect_vreg.gather [hbm4b:s5+s2], $0x80, v4, vm0, $0xb8;
	[tilespmem:$0x10100] =	vst v63  }
0x54: {  	v3 =	vadd.s32 v1, v3  }
0x55: {  	[tilespmem:s14], [sflag:$0x2] =	stream.indirect_vreg.gather [hbm4b:s6+s2], $0x80, v4, vm0, $0xb8;
	[tilespmem:$0x10100] =	vst v63  }
0x56: {  	_ = 	snop  }
0x57: {  	[tilespmem:s15], [sflag:$0x2] =	stream.indirect_vreg.gather [hbm4b:s7+s2], $0x80, v4, vm0, $0xb8;
	[tilespmem:$0x10100] =	vst v63  }
0x58: {  	_ = 	snop  }
0x59: {  	[tilespmem:s16], [sflag:$0x2] =	stream.indirect_vreg.gather [hbm4b:s4+s2], $0x80, v3, vm0, $0xb8;
	[tilespmem:$0x10100] =	vst v63  }
0x5a: {  	_ = 	snop  }
0x5b: {  	[tilespmem:s17], [sflag:$0x2] =	stream.indirect_vreg.gather [hbm4b:s5+s2], $0x80, v3, vm0, $0xb8;
	[tilespmem:$0x10100] =	vst v63  }
0x5c: {  	_ = 	snop  }
0x5d: {  	[tilespmem:s18], [sflag:$0x2] =	stream.indirect_vreg.gather [hbm4b:s6+s2], $0x80, v3, vm0, $0xb8;
	[tilespmem:$0x10100] =	vst v63  }
0x5e: {  	_ = 	snop  }
0x5f: {  	[tilespmem:s19], [sflag:$0x2] =	stream.indirect_vreg.gather [hbm4b:s7+s2], $0x80, v3, vm0, $0xb8;
	[tilespmem:$0x10100] =	vst v63  }
0x60: {  	v3 =	vld [tilespmem:$0x90];
	_ =	sdelay $0x4  }
0x61: {  	v63 =	vshll.u32 v3, $0x3  }
0x62: {  	v3 =	vand.u32 $0x7, v3;
	v4 =	vand.u32 $0xFFFFFFC0, v63  }
0x63: {  	v3 =	vor.u32 v3, v4  }
0x64: {  	v4 =	vperm.xlane v3, v0;
	_ =	sdelay $0x1  }
0x65: {  	v4 =	vadd.s32 v1, v4;
	_ =	sdelay $0x4  }
0x66: {  	[tilespmem:s20], [sflag:$0x2] =	stream.indirect_vreg.gather [hbm4b:s4+s2], $0x80, v4, vm0, $0xb8;
	[tilespmem:$0x10100] =	vst v63  }
0x67: {  	v3 =	vperm.xlane v3, v2  }
0x68: {  	[tilespmem:s21], [sflag:$0x2] =	stream.indirect_vreg.gather [hbm4b:s5+s2], $0x80, v4, vm0, $0xb8;
	[tilespmem:$0x10100] =	vst v63  }
0x69: {  	v3 =	vadd.s32 v1, v3  }
0x6a: {  	[tilespmem:s22], [sflag:$0x2] =	stream.indirect_vreg.gather [hbm4b:s6+s2], $0x80, v4, vm0, $0xb8;
	[tilespmem:$0x10100] =	vst v63  }
0x6b: {  	_ = 	snop  }
0x6c: {  	[tilespmem:s23], [sflag:$0x2] =	stream.indirect_vreg.gather [hbm4b:s7+s2], $0x80, v4, vm0, $0xb8;
	[tilespmem:$0x10100] =	vst v63  }
0x6d: {  	_ = 	snop  }
0x6e: {  	[tilespmem:s24], [sflag:$0x2] =	stream.indirect_vreg.gather [hbm4b:s4+s2], $0x80, v3, vm0, $0xb8;
	[tilespmem:$0x10100] =	vst v63  }
0x6f: {  	_ = 	snop  }
0x70: {  	[tilespmem:s25], [sflag:$0x2] =	stream.indirect_vreg.gather [hbm4b:s5+s2], $0x80, v3, vm0, $0xb8;
	[tilespmem:$0x10100] =	vst v63  }
0x71: {  	_ = 	snop  }
0x72: {  	[tilespmem:s26], [sflag:$0x2] =	stream.indirect_vreg.gather [hbm4b:s6+s2], $0x80, v3, vm0, $0xb8;
	[tilespmem:$0x10100] =	vst v63  }
0x73: {  	_ = 	snop  }
0x74: {  	[tilespmem:s28], [sflag:$0x2] =	stream.indirect_vreg.gather [hbm4b:s7+s2], $0x80, v3, vm0, $0xb8;
	[tilespmem:$0x10100] =	vst v63  }
0x75: {  	_ =	swait.ge [sflag:s29], $0x8000  }
0x76: {  	[sflag:s29] =	ssyncset.done $0x0  }
0x77: {  	[sflag:s29] =	ssyncadd.s32 $0xFFFF8000  }
0x78: {  	[hbm4b:s3+s2] =	stream.linear.scatter [tilespmem:s10], [sflag:$0x3], $0x8000, $0x38;
	[tilespmem:$0x10100] =	vst v63  }
0x79: {  	_ =	swait.ge [sflag:s30], $0x8000  }
0x7a: {  	[sflag:s30] =	ssyncset.done $0x0  }
0x7b: {  	s11 =	rddreg [dreg:$0x4];
	[sflag:s30] =	ssyncadd.s32 $0xFFFF8000  }
0x7c: {  	[hbm4b:s11+s2] =	stream.linear.scatter [tilespmem:s12], [sflag:$0x4], $0x8000, $0x38;
	[tilespmem:$0x10100] =	vst v63  }
0x7d: {  	p0 =	sne.s32 s8, $0x1;
	_ =	swait.ge [sflag:s31], $0x8000  }
.Ltmp0:
0x7e: {  	[sflag:s31] =	ssyncset.done $0x0;
	(pc) =	sbr.rel @p0 .LBB2_1-.Ltmp0, $4  }
0x7f: {  	[sflag:s31] =	ssyncadd.s32 $0xFFFF8000  }
0x80: {  	_ =	swait.ge [sflag:s1], $0x8000  }
0x81: {  	[sflag:s1] =	ssyncset.done $0x0  }
0x82: {  	s8 =	sadd.s32 $0xFFFFFFFF, s8;
	[sflag:s1] =	ssyncadd.s32 $0xFFFF8000  }
0x83: {  	_ =	sfence.sel $0x180000  }
0x84: {  	[bflag:$0x0] =	sbarrier.arrive $0xFFFF  }
0x85: {  	_ =	strace $0x9000004A  }
0x86: {  	s0 =	stileid.u32;
	[bflag:$0x2] =	sbarrier.arrive $0xFFFF  }
0x87: {  	p0 =	sne.s32 s0, $0x0;
	s0 =	rddreg [dreg:$0x2]  }
0x88: {  	s0 =	sadd.s32 @!p0 $0x100000, s0  }
0x89: {  	[sflag:s0] =	ssyncadd.tile.s32 @!p0 $0x1;
	_ =	shalt  }
.Lfunc_end2:
_tile_overlayer_lowered:
.L_overlay_start_2:
0x8a: {  	(tag) =	ssettag $0x2  }
0x8b: {  	s0 =	rddreg [dreg:$0x0];
	s2 =	stileid.u32  }
0x8c: {  	s1 =	rddreg [dreg:$0x1];
	p0 =	sne.s32 s2, $0x0  }
0x8d: {  	s3 =	rddreg [dreg:$0x2];
	[bflag:$0x3] =	sbarrier.arrive $0xFFFF;
	s2 =	simm.s32 @!p0 $0x1C05  }
0x8e: {  	[timem:s3], [sflag:s2] =	dma.local @!p0 [hbm:s0], s1  }
0x8f: {  	s0 =	simm.s32 @!p0 $0x5  }
0x90: {  	_ =	swait.ge @!p0 [sflag:s0], s1  }
0x91: {  	s1 =	ssub.s32 @!p0 $0x0, s1;
	[sflag:s0] =	ssyncset.done @!p0 $0x0  }
0x92: {  	[sflag:s0] =	ssyncadd.s32 @!p0 s1  }
0x93: {  	[bflag:$0x3] =	sbarrier.arrive $0xFFFF  }
0x94: {  	_ =	shalt  }

</sc_bundles>
